<compile_context>
chip_gen: v7x
topology: tpu7x:2x2x1
jax: 0.10.2.dev20260603
libtpu: 0.0.44.dev20260713+nightly
codegen_flags: <defaults>
</compile_context>

<pallas_src>
import functools

import jax
import jax.numpy as jnp
from jax import lax
from jax.experimental import pallas as pl
from jax.experimental.pallas import tpu as pltpu
from jax.experimental.pallas import tpu_sc as plsc

_NW = 32
_LL = 100


def _make_sc_gather(B, L, D, CHB):
    nl = L // _LL
    b_per_w = B // _NW
    n_pair = b_per_w // (2 * CHB)
    nlc = CHB * nl
    mesh = plsc.VectorSubcoreMesh(core_axis_name="c", subcore_axis_name="s")

    @functools.partial(
        pl.kernel,
        mesh=mesh,
        out_type=jax.ShapeDtypeStruct((B, L, D), jnp.float32),
        scratch_types=[
            pltpu.VMEM((2 * nlc, _LL), jnp.int32),
            pltpu.VMEM((CHB, L, D), jnp.float32),
            pltpu.VMEM((CHB, L, D), jnp.float32),
            pltpu.SemaphoreType.DMA,
            pltpu.SemaphoreType.DMA,
            pltpu.SemaphoreType.DMA,
        ],
        compiler_params=pltpu.CompilerParams(use_tc_tiling_on_sc=False),
    )
    def k(table_hbm, idx_hbm, out_hbm, idx_v, rows_a, rows_b, sem_g,
          sem_sa, sem_sb):
        wid = lax.axis_index("s") * 2 + lax.axis_index("c")
        b0w = wid * b_per_w

        def gather(half, rows_v):
            return [
                pltpu.async_copy(
                    table_hbm.at[idx_v.at[half * nlc + j]],
                    rows_v.at[j // nl, pl.ds((j % nl) * _LL, _LL)],
                    sem_g,
                )
                for j in range(nlc)
            ]

        def drain_store(rows_v, sem):
            pltpu.make_async_copy(out_hbm.at[pl.ds(0, CHB)], rows_v, sem).wait()

        def body(i, carry):
            pltpu.sync_copy(
                idx_hbm.at[pl.ds((b0w + i * 2 * CHB) * nl, 2 * nlc)], idx_v)

            @pl.when(i > 0)
            def _():
                drain_store(rows_a, sem_sa)

            ga = gather(0, rows_a)

            @pl.when(i > 0)
            def _():
                drain_store(rows_b, sem_sb)

            for c in ga:
                c.wait()
            pltpu.async_copy(
                rows_a, out_hbm.at[pl.ds(b0w + i * 2 * CHB, CHB)], sem_sa)

            gb = gather(1, rows_b)
            for c in gb:
                c.wait()
            pltpu.async_copy(
                rows_b, out_hbm.at[pl.ds(b0w + i * 2 * CHB + CHB, CHB)],
                sem_sb)
            return carry

        lax.fori_loop(0, n_pair, body, 0)
        drain_store(rows_a, sem_sa)
        drain_store(rows_b, sem_sb)

    return k


def kernel(x, table):
    B, L = x.shape
    V, D = table.shape
    idx = x.reshape(B * L // _LL, _LL).astype(jnp.int32)
    return _make_sc_gather(B, L, D, CHB=4)(table, idx)

# --- scband reference (transcript-rebuilt; emitter-appended) ---
"""Pipeline reference for scband-embedding-input-6579889897550 (READ-ONLY COPY).

The authoritative reference and input builder live on the scoring server;
editing this copy changes nothing except your own understanding.
"""

import jax, jax.numpy as jnp
import numpy as np

VOCAB = 1000000
DIM = 64
B = 16384
L = 200

def setup_inputs(seed: int = 0) -> dict:
    key = jax.random.key(seed)
    k_idx, k_tab = jax.random.split(key)
    x = jax.random.randint(k_idx, (B, L), 0, VOCAB, dtype=jnp.int64 if jax.config.jax_enable_x64 else jnp.int32)
    # flax nn.Embed default init: normal(stddev=1.0) scaled -> default is normal(1.0); use standard normal scaled
    table = jax.random.normal(k_tab, (VOCAB, DIM), dtype=jnp.float32)
    return {"x": x, "table": table}

def reference(x, table):
    # Faithful to flax nn.Embed.__call__: gather rows of the embedding table
    return jnp.take(table, x, axis=0)

if __name__ == "__main__":
    import jax
    _d = setup_inputs()
    print(jax.jit(kernel)(*tuple(_d.values())))

</pallas_src>

<mosaic_0001>
#map = affine_map<(d0, d1) -> (0, 0)>
#map1 = affine_map<(d0, d1) -> (0, 0, 0)>
module attributes {stable_mosaic.version = 14 : i64} {
  func.func @k(%arg0: i32, %arg1: i32, %arg2: memref<1000000x64xf32, #tpu.memory_space<hbm>>, %arg3: memref<32768x100xi32, #tpu.memory_space<hbm>>, %arg4: memref<16384x200x64xf32, #tpu.memory_space<hbm>>, %arg5: memref<16x100xi32, #tpu.memory_space<vmem>>, %arg6: memref<4x200x64xf32, #tpu.memory_space<vmem>>, %arg7: memref<4x200x64xf32, #tpu.memory_space<vmem>>, %arg8: memref<!tpu.dma_semaphore, #tpu.memory_space<semaphore_mem>>, %arg9: memref<!tpu.dma_semaphore, #tpu.memory_space<semaphore_mem>>, %arg10: memref<!tpu.dma_semaphore, #tpu.memory_space<semaphore_mem>>) attributes {dimension_semantics = [#tpu.dimension_semantics<core_parallel>, #tpu.dimension_semantics<subcore_parallel>], iteration_bounds = array<i64: 2, 16>, scalar_prefetch = 0 : i64, scratch_operands = 6 : i64, tpu.core_type = #tpu.core_type<sc_vector_subcore>, window_params = [{transform_indices = #map}, {transform_indices = #map}, {transform_indices = #map1}]} {
    %mul3A = arith.constant 2 : i32
    %mul3A_0 = arith.muli %arg1, %mul3A : i32
    %add3A = arith.addi %mul3A_0, %arg0 : i32
    %mul3A_1 = arith.constant 512 : i32
    %mul3A_2 = arith.muli %add3A, %mul3A_1 : i32
    %scan3A = arith.constant 0 : i32
    %scan3A_3 = arith.constant 0 : i32
    %scan3A_4 = arith.constant 64 : i32
    %scan3A_5 = arith.addi %scan3A_3, %scan3A_4 : i32
    %scan3A_6 = arith.constant 1 : i32
    scf.for %scan3A_23 = %scan3A_3 to %scan3A_5 step %scan3A_6  : i32 {
      %mul3A_24 = arith.constant 2 : i32
      %mul3A_25 = arith.muli %scan3A_23, %mul3A_24 : i32
      %mul3A_26 = arith.constant 4 : i32
      %mul3A_27 = arith.muli %mul3A_25, %mul3A_26 : i32
      %add3A_28 = arith.addi %mul3A_2, %mul3A_27 : i32
      %mul3A_29 = arith.constant 2 : i32
      %mul3A_30 = arith.muli %add3A_28, %mul3A_29 : i32
      "tpu.region"() ({
        %run_scoped3A = tpu.sem_alloc : memref<!tpu.dma_semaphore, #tpu.memory_space<semaphore_mem>>
        %dma_start3A_445 = arith.constant 0 : i32
        %dma_start3A_446 = tpu.memref_slice %arg3[%mul3A_30, %dma_start3A_445] : memref<32768x100xi32, #tpu.memory_space<hbm>> -> memref<16x100xi32, #tpu.memory_space<hbm>>
        %dma_start3A_447 = arith.constant 0 : i32
        %dma_start3A_448 = tpu.memref_slice %arg3[%mul3A_30, %dma_start3A_447] : memref<32768x100xi32, #tpu.memory_space<hbm>> -> memref<16x100xi32, #tpu.memory_space<hbm>>
        tpu.enqueue_dma source(%dma_start3A_448 : memref<16x100xi32, #tpu.memory_space<hbm>>) target(%arg5 : memref<16x100xi32, #tpu.memory_space<vmem>>) target_semaphore(%run_scoped3A : memref<!tpu.dma_semaphore, #tpu.memory_space<semaphore_mem>>)
        %dma_wait3A_449 = arith.constant 0 : i32
        %dma_wait3A_450 = tpu.memref_slice %arg3[%mul3A_30, %dma_wait3A_449] : memref<32768x100xi32, #tpu.memory_space<hbm>> -> memref<16x100xi32, #tpu.memory_space<hbm>>
        %dma_wait3A_451 = arith.constant 0 : i32
        %dma_wait3A_452 = tpu.memref_slice %arg3[%mul3A_30, %dma_wait3A_451] : memref<32768x100xi32, #tpu.memory_space<hbm>> -> memref<16x100xi32, #tpu.memory_space<hbm>>
        tpu.wait_dma2 semaphore(%run_scoped3A : memref<!tpu.dma_semaphore, #tpu.memory_space<semaphore_mem>>) src(%dma_wait3A_452 : memref<16x100xi32, #tpu.memory_space<hbm>>) dst(%arg5 : memref<16x100xi32, #tpu.memory_space<vmem>>)
        tpu.yield
      }) : () -> ()
      %gt3A = arith.constant 0 : i32
      %gt3A_31 = arith.cmpi sgt, %scan3A_23, %gt3A : i32
      %convert_element_type3A = arith.extui %gt3A_31 : i1 to i32
      %cond3A = arith.constant 0 : i32
      %cond3A_32 = arith.cmpi ne, %convert_element_type3A, %cond3A : i32
      scf.if %cond3A_32 {
        %dma_wait3A_445 = arith.constant 0 : i32
        %dma_wait3A_446 = arith.constant 0 : i32
        %dma_wait3A_447 = arith.constant 0 : i32
        %dma_wait3A_448 = tpu.memref_slice %arg4[%dma_wait3A_445, %dma_wait3A_446, %dma_wait3A_447] : memref<16384x200x64xf32, #tpu.memory_space<hbm>> -> memref<4x200x64xf32, #tpu.memory_space<hbm>>
        %dma_wait3A_449 = arith.constant 0 : i32
        %dma_wait3A_450 = arith.constant 0 : i32
        %dma_wait3A_451 = arith.constant 0 : i32
        %dma_wait3A_452 = tpu.memref_slice %arg4[%dma_wait3A_449, %dma_wait3A_450, %dma_wait3A_451] : memref<16384x200x64xf32, #tpu.memory_space<hbm>> -> memref<4x200x64xf32, #tpu.memory_space<hbm>>
        tpu.wait_dma2 semaphore(%arg9 : memref<!tpu.dma_semaphore, #tpu.memory_space<semaphore_mem>>) src(%dma_wait3A_452 : memref<4x200x64xf32, #tpu.memory_space<hbm>>) dst(%arg6 : memref<4x200x64xf32, #tpu.memory_space<vmem>>)
      } else {
      }
      %dma_start3A = arith.constant 0 : i32
      %dma_start3A_33 = arith.constant 0 : i32
      %dma_start3A_34 = arith.constant 0 : i32
      %dma_start3A_35 = arith.constant 0 : i32
      %dma_start3A_36 = tpu.memref_slice %arg6[%dma_start3A_33, %dma_start3A_34, %dma_start3A_35] : memref<4x200x64xf32, #tpu.memory_space<vmem>> -> memref<1x100x64xf32, #tpu.memory_space<vmem>>
      %dma_start3A_37 = tpu.memref_squeeze %dma_start3A_36 : memref<1x100x64xf32, #tpu.memory_space<vmem>> -> memref<100x64xf32, #tpu.memory_space<vmem>>
      %dma_start3A_38 = arith.constant 0 : i32
      %dma_start3A_39 = tpu.memref_slice %arg5[%dma_start3A, %dma_start3A_38] : memref<16x100xi32, #tpu.memory_space<vmem>> -> memref<1x100xi32, #tpu.memory_space<vmem>>
      %dma_start3A_40 = tpu.memref_squeeze %dma_start3A_39 : memref<1x100xi32, #tpu.memory_space<vmem>> -> memref<100xi32, #tpu.memory_space<vmem>>
      %dma_start3A_41 = arith.constant 0 : i32
      %dma_start3A_42 = arith.constant 0 : i32
      %dma_start3A_43 = tpu.memref_slice %arg2[%dma_start3A_41, %dma_start3A_42] : memref<1000000x64xf32, #tpu.memory_space<hbm>> -> memref<1000000x64xf32, #tpu.memory_space<hbm>>
      tpu.enqueue_indirect_dma source(%dma_start3A_43 : memref<1000000x64xf32, #tpu.memory_space<hbm>>) target(%dma_start3A_37 : memref<100x64xf32, #tpu.memory_space<vmem>>) offsets(%dma_start3A_40 : memref<100xi32, #tpu.memory_space<vmem>>) semaphore(%arg8 : memref<!tpu.dma_semaphore, #tpu.memory_space<semaphore_mem>>)
      %dma_start3A_44 = arith.constant 1 : i32
      %dma_start3A_45 = arith.constant 0 : i32
      %dma_start3A_46 = arith.constant 100 : i32
      %dma_start3A_47 = arith.constant 0 : i32
      %dma_start3A_48 = tpu.memref_slice %arg6[%dma_start3A_45, %dma_start3A_46, %dma_start3A_47] : memref<4x200x64xf32, #tpu.memory_space<vmem>> -> memref<1x100x64xf32, #tpu.memory_space<vmem>>
      %dma_start3A_49 = tpu.memref_squeeze %dma_start3A_48 : memref<1x100x64xf32, #tpu.memory_space<vmem>> -> memref<100x64xf32, #tpu.memory_space<vmem>>
      %dma_start3A_50 = arith.constant 0 : i32
      %dma_start3A_51 = tpu.memref_slice %arg5[%dma_start3A_44, %dma_start3A_50] : memref<16x100xi32, #tpu.memory_space<vmem>> -> memref<1x100xi32, #tpu.memory_space<vmem>>
      %dma_start3A_52 = tpu.memref_squeeze %dma_start3A_51 : memref<1x100xi32, #tpu.memory_space<vmem>> -> memref<100xi32, #tpu.memory_space<vmem>>
      %dma_start3A_53 = arith.constant 0 : i32
      %dma_start3A_54 = arith.constant 0 : i32
      %dma_start3A_55 = tpu.memref_slice %arg2[%dma_start3A_53, %dma_start3A_54] : memref<1000000x64xf32, #tpu.memory_space<hbm>> -> memref<1000000x64xf32, #tpu.memory_space<hbm>>
      tpu.enqueue_indirect_dma source(%dma_start3A_55 : memref<1000000x64xf32, #tpu.memory_space<hbm>>) target(%dma_start3A_49 : memref<100x64xf32, #tpu.memory_space<vmem>>) offsets(%dma_start3A_52 : memref<100xi32, #tpu.memory_space<vmem>>) semaphore(%arg8 : memref<!tpu.dma_semaphore, #tpu.memory_space<semaphore_mem>>)
      %dma_start3A_56 = arith.constant 2 : i32
      %dma_start3A_57 = arith.constant 1 : i32
      %dma_start3A_58 = arith.constant 0 : i32
      %dma_start3A_59 = arith.constant 0 : i32
      %dma_start3A_60 = tpu.memref_slice %arg6[%dma_start3A_57, %dma_start3A_58, %dma_start3A_59] : memref<4x200x64xf32, #tpu.memory_space<vmem>> -> memref<1x100x64xf32, #tpu.memory_space<vmem>>
      %dma_start3A_61 = tpu.memref_squeeze %dma_start3A_60 : memref<1x100x64xf32, #tpu.memory_space<vmem>> -> memref<100x64xf32, #tpu.memory_space<vmem>>
      %dma_start3A_62 = arith.constant 0 : i32
      %dma_start3A_63 = tpu.memref_slice %arg5[%dma_start3A_56, %dma_start3A_62] : memref<16x100xi32, #tpu.memory_space<vmem>> -> memref<1x100xi32, #tpu.memory_space<vmem>>
      %dma_start3A_64 = tpu.memref_squeeze %dma_start3A_63 : memref<1x100xi32, #tpu.memory_space<vmem>> -> memref<100xi32, #tpu.memory_space<vmem>>
      %dma_start3A_65 = arith.constant 0 : i32
      %dma_start3A_66 = arith.constant 0 : i32
      %dma_start3A_67 = tpu.memref_slice %arg2[%dma_start3A_65, %dma_start3A_66] : memref<1000000x64xf32, #tpu.memory_space<hbm>> -> memref<1000000x64xf32, #tpu.memory_space<hbm>>
      tpu.enqueue_indirect_dma source(%dma_start3A_67 : memref<1000000x64xf32, #tpu.memory_space<hbm>>) target(%dma_start3A_61 : memref<100x64xf32, #tpu.memory_space<vmem>>) offsets(%dma_start3A_64 : memref<100xi32, #tpu.memory_space<vmem>>) semaphore(%arg8 : memref<!tpu.dma_semaphore, #tpu.memory_space<semaphore_mem>>)
      %dma_start3A_68 = arith.constant 3 : i32
      %dma_start3A_69 = arith.constant 1 : i32
      %dma_start3A_70 = arith.constant 100 : i32
      %dma_start3A_71 = arith.constant 0 : i32
      %dma_start3A_72 = tpu.memref_slice %arg6[%dma_start3A_69, %dma_start3A_70, %dma_start3A_71] : memref<4x200x64xf32, #tpu.memory_space<vmem>> -> memref<1x100x64xf32, #tpu.memory_space<vmem>>
      %dma_start3A_73 = tpu.memref_squeeze %dma_start3A_72 : memref<1x100x64xf32, #tpu.memory_space<vmem>> -> memref<100x64xf32, #tpu.memory_space<vmem>>
      %dma_start3A_74 = arith.constant 0 : i32
      %dma_start3A_75 = tpu.memref_slice %arg5[%dma_start3A_68, %dma_start3A_74] : memref<16x100xi32, #tpu.memory_space<vmem>> -> memref<1x100xi32, #tpu.memory_space<vmem>>
      %dma_start3A_76 = tpu.memref_squeeze %dma_start3A_75 : memref<1x100xi32, #tpu.memory_space<vmem>> -> memref<100xi32, #tpu.memory_space<vmem>>
      %dma_start3A_77 = arith.constant 0 : i32
      %dma_start3A_78 = arith.constant 0 : i32
      %dma_start3A_79 = tpu.memref_slice %arg2[%dma_start3A_77, %dma_start3A_78] : memref<1000000x64xf32, #tpu.memory_space<hbm>> -> memref<1000000x64xf32, #tpu.memory_space<hbm>>
      tpu.enqueue_indirect_dma source(%dma_start3A_79 : memref<1000000x64xf32, #tpu.memory_space<hbm>>) target(%dma_start3A_73 : memref<100x64xf32, #tpu.memory_space<vmem>>) offsets(%dma_start3A_76 : memref<100xi32, #tpu.memory_space<vmem>>) semaphore(%arg8 : memref<!tpu.dma_semaphore, #tpu.memory_space<semaphore_mem>>)
      %dma_start3A_80 = arith.constant 4 : i32
      %dma_start3A_81 = arith.constant 2 : i32
      %dma_start3A_82 = arith.constant 0 : i32
      %dma_start3A_83 = arith.constant 0 : i32
      %dma_start3A_84 = tpu.memref_slice %arg6[%dma_start3A_81, %dma_start3A_82, %dma_start3A_83] : memref<4x200x64xf32, #tpu.memory_space<vmem>> -> memref<1x100x64xf32, #tpu.memory_space<vmem>>
      %dma_start3A_85 = tpu.memref_squeeze %dma_start3A_84 : memref<1x100x64xf32, #tpu.memory_space<vmem>> -> memref<100x64xf32, #tpu.memory_space<vmem>>
      %dma_start3A_86 = arith.constant 0 : i32
      %dma_start3A_87 = tpu.memref_slice %arg5[%dma_start3A_80, %dma_start3A_86] : memref<16x100xi32, #tpu.memory_space<vmem>> -> memref<1x100xi32, #tpu.memory_space<vmem>>
      %dma_start3A_88 = tpu.memref_squeeze %dma_start3A_87 : memref<1x100xi32, #tpu.memory_space<vmem>> -> memref<100xi32, #tpu.memory_space<vmem>>
      %dma_start3A_89 = arith.constant 0 : i32
      %dma_start3A_90 = arith.constant 0 : i32
      %dma_start3A_91 = tpu.memref_slice %arg2[%dma_start3A_89, %dma_start3A_90] : memref<1000000x64xf32, #tpu.memory_space<hbm>> -> memref<1000000x64xf32, #tpu.memory_space<hbm>>
      tpu.enqueue_indirect_dma source(%dma_start3A_91 : memref<1000000x64xf32, #tpu.memory_space<hbm>>) target(%dma_start3A_85 : memref<100x64xf32, #tpu.memory_space<vmem>>) offsets(%dma_start3A_88 : memref<100xi32, #tpu.memory_space<vmem>>) semaphore(%arg8 : memref<!tpu.dma_semaphore, #tpu.memory_space<semaphore_mem>>)
      %dma_start3A_92 = arith.constant 5 : i32
      %dma_start3A_93 = arith.constant 2 : i32
      %dma_start3A_94 = arith.constant 100 : i32
      %dma_start3A_95 = arith.constant 0 : i32
      %dma_start3A_96 = tpu.memref_slice %arg6[%dma_start3A_93, %dma_start3A_94, %dma_start3A_95] : memref<4x200x64xf32, #tpu.memory_space<vmem>> -> memref<1x100x64xf32, #tpu.memory_space<vmem>>
      %dma_start3A_97 = tpu.memref_squeeze %dma_start3A_96 : memref<1x100x64xf32, #tpu.memory_space<vmem>> -> memref<100x64xf32, #tpu.memory_space<vmem>>
      %dma_start3A_98 = arith.constant 0 : i32
      %dma_start3A_99 = tpu.memref_slice %arg5[%dma_start3A_92, %dma_start3A_98] : memref<16x100xi32, #tpu.memory_space<vmem>> -> memref<1x100xi32, #tpu.memory_space<vmem>>
      %dma_start3A_100 = tpu.memref_squeeze %dma_start3A_99 : memref<1x100xi32, #tpu.memory_space<vmem>> -> memref<100xi32, #tpu.memory_space<vmem>>
      %dma_start3A_101 = arith.constant 0 : i32
      %dma_start3A_102 = arith.constant 0 : i32
      %dma_start3A_103 = tpu.memref_slice %arg2[%dma_start3A_101, %dma_start3A_102] : memref<1000000x64xf32, #tpu.memory_space<hbm>> -> memref<1000000x64xf32, #tpu.memory_space<hbm>>
      tpu.enqueue_indirect_dma source(%dma_start3A_103 : memref<1000000x64xf32, #tpu.memory_space<hbm>>) target(%dma_start3A_97 : memref<100x64xf32, #tpu.memory_space<vmem>>) offsets(%dma_start3A_100 : memref<100xi32, #tpu.memory_space<vmem>>) semaphore(%arg8 : memref<!tpu.dma_semaphore, #tpu.memory_space<semaphore_mem>>)
      %dma_start3A_104 = arith.constant 6 : i32
      %dma_start3A_105 = arith.constant 3 : i32
      %dma_start3A_106 = arith.constant 0 : i32
      %dma_start3A_107 = arith.constant 0 : i32
      %dma_start3A_108 = tpu.memref_slice %arg6[%dma_start3A_105, %dma_start3A_106, %dma_start3A_107] : memref<4x200x64xf32, #tpu.memory_space<vmem>> -> memref<1x100x64xf32, #tpu.memory_space<vmem>>
      %dma_start3A_109 = tpu.memref_squeeze %dma_start3A_108 : memref<1x100x64xf32, #tpu.memory_space<vmem>> -> memref<100x64xf32, #tpu.memory_space<vmem>>
      %dma_start3A_110 = arith.constant 0 : i32
      %dma_start3A_111 = tpu.memref_slice %arg5[%dma_start3A_104, %dma_start3A_110] : memref<16x100xi32, #tpu.memory_space<vmem>> -> memref<1x100xi32, #tpu.memory_space<vmem>>
      %dma_start3A_112 = tpu.memref_squeeze %dma_start3A_111 : memref<1x100xi32, #tpu.memory_space<vmem>> -> memref<100xi32, #tpu.memory_space<vmem>>
      %dma_start3A_113 = arith.constant 0 : i32
      %dma_start3A_114 = arith.constant 0 : i32
      %dma_start3A_115 = tpu.memref_slice %arg2[%dma_start3A_113, %dma_start3A_114] : memref<1000000x64xf32, #tpu.memory_space<hbm>> -> memref<1000000x64xf32, #tpu.memory_space<hbm>>
      tpu.enqueue_indirect_dma source(%dma_start3A_115 : memref<1000000x64xf32, #tpu.memory_space<hbm>>) target(%dma_start3A_109 : memref<100x64xf32, #tpu.memory_space<vmem>>) offsets(%dma_start3A_112 : memref<100xi32, #tpu.memory_space<vmem>>) semaphore(%arg8 : memref<!tpu.dma_semaphore, #tpu.memory_space<semaphore_mem>>)
      %dma_start3A_116 = arith.constant 7 : i32
      %dma_start3A_117 = arith.constant 3 : i32
      %dma_start3A_118 = arith.constant 100 : i32
      %dma_start3A_119 = arith.constant 0 : i32
      %dma_start3A_120 = tpu.memref_slice %arg6[%dma_start3A_117, %dma_start3A_118, %dma_start3A_119] : memref<4x200x64xf32, #tpu.memory_space<vmem>> -> memref<1x100x64xf32, #tpu.memory_space<vmem>>
      %dma_start3A_121 = tpu.memref_squeeze %dma_start3A_120 : memref<1x100x64xf32, #tpu.memory_space<vmem>> -> memref<100x64xf32, #tpu.memory_space<vmem>>
      %dma_start3A_122 = arith.constant 0 : i32
      %dma_start3A_123 = tpu.memref_slice %arg5[%dma_start3A_116, %dma_start3A_122] : memref<16x100xi32, #tpu.memory_space<vmem>> -> memref<1x100xi32, #tpu.memory_space<vmem>>
      %dma_start3A_124 = tpu.memref_squeeze %dma_start3A_123 : memref<1x100xi32, #tpu.memory_space<vmem>> -> memref<100xi32, #tpu.memory_space<vmem>>
      %dma_start3A_125 = arith.constant 0 : i32
      %dma_start3A_126 = arith.constant 0 : i32
      %dma_start3A_127 = tpu.memref_slice %arg2[%dma_start3A_125, %dma_start3A_126] : memref<1000000x64xf32, #tpu.memory_space<hbm>> -> memref<1000000x64xf32, #tpu.memory_space<hbm>>
      tpu.enqueue_indirect_dma source(%dma_start3A_127 : memref<1000000x64xf32, #tpu.memory_space<hbm>>) target(%dma_start3A_121 : memref<100x64xf32, #tpu.memory_space<vmem>>) offsets(%dma_start3A_124 : memref<100xi32, #tpu.memory_space<vmem>>) semaphore(%arg8 : memref<!tpu.dma_semaphore, #tpu.memory_space<semaphore_mem>>)
      %gt3A_128 = arith.constant 0 : i32
      %gt3A_129 = arith.cmpi sgt, %scan3A_23, %gt3A_128 : i32
      %convert_element_type3A_130 = arith.extui %gt3A_129 : i1 to i32
      %cond3A_131 = arith.constant 0 : i32
      %cond3A_132 = arith.cmpi ne, %convert_element_type3A_130, %cond3A_131 : i32
      scf.if %cond3A_132 {
        %dma_wait3A_445 = arith.constant 0 : i32
        %dma_wait3A_446 = arith.constant 0 : i32
        %dma_wait3A_447 = arith.constant 0 : i32
        %dma_wait3A_448 = tpu.memref_slice %arg4[%dma_wait3A_445, %dma_wait3A_446, %dma_wait3A_447] : memref<16384x200x64xf32, #tpu.memory_space<hbm>> -> memref<4x200x64xf32, #tpu.memory_space<hbm>>
        %dma_wait3A_449 = arith.constant 0 : i32
        %dma_wait3A_450 = arith.constant 0 : i32
        %dma_wait3A_451 = arith.constant 0 : i32
        %dma_wait3A_452 = tpu.memref_slice %arg4[%dma_wait3A_449, %dma_wait3A_450, %dma_wait3A_451] : memref<16384x200x64xf32, #tpu.memory_space<hbm>> -> memref<4x200x64xf32, #tpu.memory_space<hbm>>
        tpu.wait_dma2 semaphore(%arg10 : memref<!tpu.dma_semaphore, #tpu.memory_space<semaphore_mem>>) src(%dma_wait3A_452 : memref<4x200x64xf32, #tpu.memory_space<hbm>>) dst(%arg7 : memref<4x200x64xf32, #tpu.memory_space<vmem>>)
      } else {
      }
      %dma_wait3A_133 = arith.constant 0 : i32
      %dma_wait3A_134 = arith.constant 0 : i32
      %dma_wait3A_135 = arith.constant 0 : i32
      %dma_wait3A_136 = arith.constant 0 : i32
      %dma_wait3A_137 = tpu.memref_slice %arg6[%dma_wait3A_134, %dma_wait3A_135, %dma_wait3A_136] : memref<4x200x64xf32, #tpu.memory_space<vmem>> -> memref<1x100x64xf32, #tpu.memory_space<vmem>>
      %dma_wait3A_138 = tpu.memref_squeeze %dma_wait3A_137 : memref<1x100x64xf32, #tpu.memory_space<vmem>> -> memref<100x64xf32, #tpu.memory_space<vmem>>
      %dma_wait3A_139 = arith.constant 0 : i32
      %dma_wait3A_140 = tpu.memref_slice %arg5[%dma_wait3A_133, %dma_wait3A_139] : memref<16x100xi32, #tpu.memory_space<vmem>> -> memref<1x100xi32, #tpu.memory_space<vmem>>
      %dma_wait3A_141 = tpu.memref_squeeze %dma_wait3A_140 : memref<1x100xi32, #tpu.memory_space<vmem>> -> memref<100xi32, #tpu.memory_space<vmem>>
      %dma_wait3A_142 = arith.constant 0 : i32
      %dma_wait3A_143 = arith.constant 0 : i32
      %dma_wait3A_144 = tpu.memref_slice %arg2[%dma_wait3A_142, %dma_wait3A_143] : memref<1000000x64xf32, #tpu.memory_space<hbm>> -> memref<1000000x64xf32, #tpu.memory_space<hbm>>
      tpu.wait_indirect_dma semaphore(%arg8 : memref<!tpu.dma_semaphore, #tpu.memory_space<semaphore_mem>>) src(%dma_wait3A_144 : memref<1000000x64xf32, #tpu.memory_space<hbm>>) dst(%dma_wait3A_138 : memref<100x64xf32, #tpu.memory_space<vmem>>)
      %dma_wait3A_145 = arith.constant 1 : i32
      %dma_wait3A_146 = arith.constant 0 : i32
      %dma_wait3A_147 = arith.constant 100 : i32
      %dma_wait3A_148 = arith.constant 0 : i32
      %dma_wait3A_149 = tpu.memref_slice %arg6[%dma_wait3A_146, %dma_wait3A_147, %dma_wait3A_148] : memref<4x200x64xf32, #tpu.memory_space<vmem>> -> memref<1x100x64xf32, #tpu.memory_space<vmem>>
      %dma_wait3A_150 = tpu.memref_squeeze %dma_wait3A_149 : memref<1x100x64xf32, #tpu.memory_space<vmem>> -> memref<100x64xf32, #tpu.memory_space<vmem>>
      %dma_wait3A_151 = arith.constant 0 : i32
      %dma_wait3A_152 = tpu.memref_slice %arg5[%dma_wait3A_145, %dma_wait3A_151] : memref<16x100xi32, #tpu.memory_space<vmem>> -> memref<1x100xi32, #tpu.memory_space<vmem>>
      %dma_wait3A_153 = tpu.memref_squeeze %dma_wait3A_152 : memref<1x100xi32, #tpu.memory_space<vmem>> -> memref<100xi32, #tpu.memory_space<vmem>>
      %dma_wait3A_154 = arith.constant 0 : i32
      %dma_wait3A_155 = arith.constant 0 : i32
      %dma_wait3A_156 = tpu.memref_slice %arg2[%dma_wait3A_154, %dma_wait3A_155] : memref<1000000x64xf32, #tpu.memory_space<hbm>> -> memref<1000000x64xf32, #tpu.memory_space<hbm>>
      tpu.wait_indirect_dma semaphore(%arg8 : memref<!tpu.dma_semaphore, #tpu.memory_space<semaphore_mem>>) src(%dma_wait3A_156 : memref<1000000x64xf32, #tpu.memory_space<hbm>>) dst(%dma_wait3A_150 : memref<100x64xf32, #tpu.memory_space<vmem>>)
      %dma_wait3A_157 = arith.constant 2 : i32
      %dma_wait3A_158 = arith.constant 1 : i32
      %dma_wait3A_159 = arith.constant 0 : i32
      %dma_wait3A_160 = arith.constant 0 : i32
      %dma_wait3A_161 = tpu.memref_slice %arg6[%dma_wait3A_158, %dma_wait3A_159, %dma_wait3A_160] : memref<4x200x64xf32, #tpu.memory_space<vmem>> -> memref<1x100x64xf32, #tpu.memory_space<vmem>>
      %dma_wait3A_162 = tpu.memref_squeeze %dma_wait3A_161 : memref<1x100x64xf32, #tpu.memory_space<vmem>> -> memref<100x64xf32, #tpu.memory_space<vmem>>
      %dma_wait3A_163 = arith.constant 0 : i32
      %dma_wait3A_164 = tpu.memref_slice %arg5[%dma_wait3A_157, %dma_wait3A_163] : memref<16x100xi32, #tpu.memory_space<vmem>> -> memref<1x100xi32, #tpu.memory_space<vmem>>
      %dma_wait3A_165 = tpu.memref_squeeze %dma_wait3A_164 : memref<1x100xi32, #tpu.memory_space<vmem>> -> memref<100xi32, #tpu.memory_space<vmem>>
      %dma_wait3A_166 = arith.constant 0 : i32
      %dma_wait3A_167 = arith.constant 0 : i32
      %dma_wait3A_168 = tpu.memref_slice %arg2[%dma_wait3A_166, %dma_wait3A_167] : memref<1000000x64xf32, #tpu.memory_space<hbm>> -> memref<1000000x64xf32, #tpu.memory_space<hbm>>
      tpu.wait_indirect_dma semaphore(%arg8 : memref<!tpu.dma_semaphore, #tpu.memory_space<semaphore_mem>>) src(%dma_wait3A_168 : memref<1000000x64xf32, #tpu.memory_space<hbm>>) dst(%dma_wait3A_162 : memref<100x64xf32, #tpu.memory_space<vmem>>)
      %dma_wait3A_169 = arith.constant 3 : i32
      %dma_wait3A_170 = arith.constant 1 : i32
      %dma_wait3A_171 = arith.constant 100 : i32
      %dma_wait3A_172 = arith.constant 0 : i32
      %dma_wait3A_173 = tpu.memref_slice %arg6[%dma_wait3A_170, %dma_wait3A_171, %dma_wait3A_172] : memref<4x200x64xf32, #tpu.memory_space<vmem>> -> memref<1x100x64xf32, #tpu.memory_space<vmem>>
      %dma_wait3A_174 = tpu.memref_squeeze %dma_wait3A_173 : memref<1x100x64xf32, #tpu.memory_space<vmem>> -> memref<100x64xf32, #tpu.memory_space<vmem>>
      %dma_wait3A_175 = arith.constant 0 : i32
      %dma_wait3A_176 = tpu.memref_slice %arg5[%dma_wait3A_169, %dma_wait3A_175] : memref<16x100xi32, #tpu.memory_space<vmem>> -> memref<1x100xi32, #tpu.memory_space<vmem>>
      %dma_wait3A_177 = tpu.memref_squeeze %dma_wait3A_176 : memref<1x100xi32, #tpu.memory_space<vmem>> -> memref<100xi32, #tpu.memory_space<vmem>>
      %dma_wait3A_178 = arith.constant 0 : i32
      %dma_wait3A_179 = arith.constant 0 : i32
      %dma_wait3A_180 = tpu.memref_slice %arg2[%dma_wait3A_178, %dma_wait3A_179] : memref<1000000x64xf32, #tpu.memory_space<hbm>> -> memref<1000000x64xf32, #tpu.memory_space<hbm>>
      tpu.wait_indirect_dma semaphore(%arg8 : memref<!tpu.dma_semaphore, #tpu.memory_space<semaphore_mem>>) src(%dma_wait3A_180 : memref<1000000x64xf32, #tpu.memory_space<hbm>>) dst(%dma_wait3A_174 : memref<100x64xf32, #tpu.memory_space<vmem>>)
      %dma_wait3A_181 = arith.constant 4 : i32
      %dma_wait3A_182 = arith.constant 2 : i32
      %dma_wait3A_183 = arith.constant 0 : i32
      %dma_wait3A_184 = arith.constant 0 : i32
      %dma_wait3A_185 = tpu.memref_slice %arg6[%dma_wait3A_182, %dma_wait3A_183, %dma_wait3A_184] : memref<4x200x64xf32, #tpu.memory_space<vmem>> -> memref<1x100x64xf32, #tpu.memory_space<vmem>>
      %dma_wait3A_186 = tpu.memref_squeeze %dma_wait3A_185 : memref<1x100x64xf32, #tpu.memory_space<vmem>> -> memref<100x64xf32, #tpu.memory_space<vmem>>
      %dma_wait3A_187 = arith.constant 0 : i32
      %dma_wait3A_188 = tpu.memref_slice %arg5[%dma_wait3A_181, %dma_wait3A_187] : memref<16x100xi32, #tpu.memory_space<vmem>> -> memref<1x100xi32, #tpu.memory_space<vmem>>
      %dma_wait3A_189 = tpu.memref_squeeze %dma_wait3A_188 : memref<1x100xi32, #tpu.memory_space<vmem>> -> memref<100xi32, #tpu.memory_space<vmem>>
      %dma_wait3A_190 = arith.constant 0 : i32
      %dma_wait3A_191 = arith.constant 0 : i32
      %dma_wait3A_192 = tpu.memref_slice %arg2[%dma_wait3A_190, %dma_wait3A_191] : memref<1000000x64xf32, #tpu.memory_space<hbm>> -> memref<1000000x64xf32, #tpu.memory_space<hbm>>
      tpu.wait_indirect_dma semaphore(%arg8 : memref<!tpu.dma_semaphore, #tpu.memory_space<semaphore_mem>>) src(%dma_wait3A_192 : memref<1000000x64xf32, #tpu.memory_space<hbm>>) dst(%dma_wait3A_186 : memref<100x64xf32, #tpu.memory_space<vmem>>)
      %dma_wait3A_193 = arith.constant 5 : i32
      %dma_wait3A_194 = arith.constant 2 : i32
      %dma_wait3A_195 = arith.constant 100 : i32
      %dma_wait3A_196 = arith.constant 0 : i32
      %dma_wait3A_197 = tpu.memref_slice %arg6[%dma_wait3A_194, %dma_wait3A_195, %dma_wait3A_196] : memref<4x200x64xf32, #tpu.memory_space<vmem>> -> memref<1x100x64xf32, #tpu.memory_space<vmem>>
      %dma_wait3A_198 = tpu.memref_squeeze %dma_wait3A_197 : memref<1x100x64xf32, #tpu.memory_space<vmem>> -> memref<100x64xf32, #tpu.memory_space<vmem>>
      %dma_wait3A_199 = arith.constant 0 : i32
      %dma_wait3A_200 = tpu.memref_slice %arg5[%dma_wait3A_193, %dma_wait3A_199] : memref<16x100xi32, #tpu.memory_space<vmem>> -> memref<1x100xi32, #tpu.memory_space<vmem>>
      %dma_wait3A_201 = tpu.memref_squeeze %dma_wait3A_200 : memref<1x100xi32, #tpu.memory_space<vmem>> -> memref<100xi32, #tpu.memory_space<vmem>>
      %dma_wait3A_202 = arith.constant 0 : i32
      %dma_wait3A_203 = arith.constant 0 : i32
      %dma_wait3A_204 = tpu.memref_slice %arg2[%dma_wait3A_202, %dma_wait3A_203] : memref<1000000x64xf32, #tpu.memory_space<hbm>> -> memref<1000000x64xf32, #tpu.memory_space<hbm>>
      tpu.wait_indirect_dma semaphore(%arg8 : memref<!tpu.dma_semaphore, #tpu.memory_space<semaphore_mem>>) src(%dma_wait3A_204 : memref<1000000x64xf32, #tpu.memory_space<hbm>>) dst(%dma_wait3A_198 : memref<100x64xf32, #tpu.memory_space<vmem>>)
      %dma_wait3A_205 = arith.constant 6 : i32
      %dma_wait3A_206 = arith.constant 3 : i32
      %dma_wait3A_207 = arith.constant 0 : i32
      %dma_wait3A_208 = arith.constant 0 : i32
      %dma_wait3A_209 = tpu.memref_slice %arg6[%dma_wait3A_206, %dma_wait3A_207, %dma_wait3A_208] : memref<4x200x64xf32, #tpu.memory_space<vmem>> -> memref<1x100x64xf32, #tpu.memory_space<vmem>>
      %dma_wait3A_210 = tpu.memref_squeeze %dma_wait3A_209 : memref<1x100x64xf32, #tpu.memory_space<vmem>> -> memref<100x64xf32, #tpu.memory_space<vmem>>
      %dma_wait3A_211 = arith.constant 0 : i32
      %dma_wait3A_212 = tpu.memref_slice %arg5[%dma_wait3A_205, %dma_wait3A_211] : memref<16x100xi32, #tpu.memory_space<vmem>> -> memref<1x100xi32, #tpu.memory_space<vmem>>
      %dma_wait3A_213 = tpu.memref_squeeze %dma_wait3A_212 : memref<1x100xi32, #tpu.memory_space<vmem>> -> memref<100xi32, #tpu.memory_space<vmem>>
      %dma_wait3A_214 = arith.constant 0 : i32
      %dma_wait3A_215 = arith.constant 0 : i32
      %dma_wait3A_216 = tpu.memref_slice %arg2[%dma_wait3A_214, %dma_wait3A_215] : memref<1000000x64xf32, #tpu.memory_space<hbm>> -> memref<1000000x64xf32, #tpu.memory_space<hbm>>
      tpu.wait_indirect_dma semaphore(%arg8 : memref<!tpu.dma_semaphore, #tpu.memory_space<semaphore_mem>>) src(%dma_wait3A_216 : memref<1000000x64xf32, #tpu.memory_space<hbm>>) dst(%dma_wait3A_210 : memref<100x64xf32, #tpu.memory_space<vmem>>)
      %dma_wait3A_217 = arith.constant 7 : i32
      %dma_wait3A_218 = arith.constant 3 : i32
      %dma_wait3A_219 = arith.constant 100 : i32
      %dma_wait3A_220 = arith.constant 0 : i32
      %dma_wait3A_221 = tpu.memref_slice %arg6[%dma_wait3A_218, %dma_wait3A_219, %dma_wait3A_220] : memref<4x200x64xf32, #tpu.memory_space<vmem>> -> memref<1x100x64xf32, #tpu.memory_space<vmem>>
      %dma_wait3A_222 = tpu.memref_squeeze %dma_wait3A_221 : memref<1x100x64xf32, #tpu.memory_space<vmem>> -> memref<100x64xf32, #tpu.memory_space<vmem>>
      %dma_wait3A_223 = arith.constant 0 : i32
      %dma_wait3A_224 = tpu.memref_slice %arg5[%dma_wait3A_217, %dma_wait3A_223] : memref<16x100xi32, #tpu.memory_space<vmem>> -> memref<1x100xi32, #tpu.memory_space<vmem>>
      %dma_wait3A_225 = tpu.memref_squeeze %dma_wait3A_224 : memref<1x100xi32, #tpu.memory_space<vmem>> -> memref<100xi32, #tpu.memory_space<vmem>>
      %dma_wait3A_226 = arith.constant 0 : i32
      %dma_wait3A_227 = arith.constant 0 : i32
      %dma_wait3A_228 = tpu.memref_slice %arg2[%dma_wait3A_226, %dma_wait3A_227] : memref<1000000x64xf32, #tpu.memory_space<hbm>> -> memref<1000000x64xf32, #tpu.memory_space<hbm>>
      tpu.wait_indirect_dma semaphore(%arg8 : memref<!tpu.dma_semaphore, #tpu.memory_space<semaphore_mem>>) src(%dma_wait3A_228 : memref<1000000x64xf32, #tpu.memory_space<hbm>>) dst(%dma_wait3A_222 : memref<100x64xf32, #tpu.memory_space<vmem>>)
      %mul3A_229 = arith.constant 2 : i32
      %mul3A_230 = arith.muli %scan3A_23, %mul3A_229 : i32
      %mul3A_231 = arith.constant 4 : i32
      %mul3A_232 = arith.muli %mul3A_230, %mul3A_231 : i32
      %add3A_233 = arith.addi %mul3A_2, %mul3A_232 : i32
      %dma_start3A_234 = arith.constant 0 : i32
      %dma_start3A_235 = arith.constant 0 : i32
      %dma_start3A_236 = tpu.memref_slice %arg4[%add3A_233, %dma_start3A_234, %dma_start3A_235] : memref<16384x200x64xf32, #tpu.memory_space<hbm>> -> memref<4x200x64xf32, #tpu.memory_space<hbm>>
      %dma_start3A_237 = arith.constant 0 : i32
      %dma_start3A_238 = arith.constant 0 : i32
      %dma_start3A_239 = tpu.memref_slice %arg4[%add3A_233, %dma_start3A_237, %dma_start3A_238] : memref<16384x200x64xf32, #tpu.memory_space<hbm>> -> memref<4x200x64xf32, #tpu.memory_space<hbm>>
      tpu.enqueue_dma source(%arg6 : memref<4x200x64xf32, #tpu.memory_space<vmem>>) target(%dma_start3A_239 : memref<4x200x64xf32, #tpu.memory_space<hbm>>) target_semaphore(%arg9 : memref<!tpu.dma_semaphore, #tpu.memory_space<semaphore_mem>>)
      %dma_start3A_240 = arith.constant 8 : i32
      %dma_start3A_241 = arith.constant 0 : i32
      %dma_start3A_242 = arith.constant 0 : i32
      %dma_start3A_243 = arith.constant 0 : i32
      %dma_start3A_244 = tpu.memref_slice %arg7[%dma_start3A_241, %dma_start3A_242, %dma_start3A_243] : memref<4x200x64xf32, #tpu.memory_space<vmem>> -> memref<1x100x64xf32, #tpu.memory_space<vmem>>
      %dma_start3A_245 = tpu.memref_squeeze %dma_start3A_244 : memref<1x100x64xf32, #tpu.memory_space<vmem>> -> memref<100x64xf32, #tpu.memory_space<vmem>>
      %dma_start3A_246 = arith.constant 0 : i32
      %dma_start3A_247 = tpu.memref_slice %arg5[%dma_start3A_240, %dma_start3A_246] : memref<16x100xi32, #tpu.memory_space<vmem>> -> memref<1x100xi32, #tpu.memory_space<vmem>>
      %dma_start3A_248 = tpu.memref_squeeze %dma_start3A_247 : memref<1x100xi32, #tpu.memory_space<vmem>> -> memref<100xi32, #tpu.memory_space<vmem>>
      %dma_start3A_249 = arith.constant 0 : i32
      %dma_start3A_250 = arith.constant 0 : i32
      %dma_start3A_251 = tpu.memref_slice %arg2[%dma_start3A_249, %dma_start3A_250] : memref<1000000x64xf32, #tpu.memory_space<hbm>> -> memref<1000000x64xf32, #tpu.memory_space<hbm>>
      tpu.enqueue_indirect_dma source(%dma_start3A_251 : memref<1000000x64xf32, #tpu.memory_space<hbm>>) target(%dma_start3A_245 : memref<100x64xf32, #tpu.memory_space<vmem>>) offsets(%dma_start3A_248 : memref<100xi32, #tpu.memory_space<vmem>>) semaphore(%arg8 : memref<!tpu.dma_semaphore, #tpu.memory_space<semaphore_mem>>)
      %dma_start3A_252 = arith.constant 9 : i32
      %dma_start3A_253 = arith.constant 0 : i32
      %dma_start3A_254 = arith.constant 100 : i32
      %dma_start3A_255 = arith.constant 0 : i32
      %dma_start3A_256 = tpu.memref_slice %arg7[%dma_start3A_253, %dma_start3A_254, %dma_start3A_255] : memref<4x200x64xf32, #tpu.memory_space<vmem>> -> memref<1x100x64xf32, #tpu.memory_space<vmem>>
      %dma_start3A_257 = tpu.memref_squeeze %dma_start3A_256 : memref<1x100x64xf32, #tpu.memory_space<vmem>> -> memref<100x64xf32, #tpu.memory_space<vmem>>
      %dma_start3A_258 = arith.constant 0 : i32
      %dma_start3A_259 = tpu.memref_slice %arg5[%dma_start3A_252, %dma_start3A_258] : memref<16x100xi32, #tpu.memory_space<vmem>> -> memref<1x100xi32, #tpu.memory_space<vmem>>
      %dma_start3A_260 = tpu.memref_squeeze %dma_start3A_259 : memref<1x100xi32, #tpu.memory_space<vmem>> -> memref<100xi32, #tpu.memory_space<vmem>>
      %dma_start3A_261 = arith.constant 0 : i32
      %dma_start3A_262 = arith.constant 0 : i32
      %dma_start3A_263 = tpu.memref_slice %arg2[%dma_start3A_261, %dma_start3A_262] : memref<1000000x64xf32, #tpu.memory_space<hbm>> -> memref<1000000x64xf32, #tpu.memory_space<hbm>>
      tpu.enqueue_indirect_dma source(%dma_start3A_263 : memref<1000000x64xf32, #tpu.memory_space<hbm>>) target(%dma_start3A_257 : memref<100x64xf32, #tpu.memory_space<vmem>>) offsets(%dma_start3A_260 : memref<100xi32, #tpu.memory_space<vmem>>) semaphore(%arg8 : memref<!tpu.dma_semaphore, #tpu.memory_space<semaphore_mem>>)
      %dma_start3A_264 = arith.constant 10 : i32
      %dma_start3A_265 = arith.constant 1 : i32
      %dma_start3A_266 = arith.constant 0 : i32
      %dma_start3A_267 = arith.constant 0 : i32
      %dma_start3A_268 = tpu.memref_slice %arg7[%dma_start3A_265, %dma_start3A_266, %dma_start3A_267] : memref<4x200x64xf32, #tpu.memory_space<vmem>> -> memref<1x100x64xf32, #tpu.memory_space<vmem>>
      %dma_start3A_269 = tpu.memref_squeeze %dma_start3A_268 : memref<1x100x64xf32, #tpu.memory_space<vmem>> -> memref<100x64xf32, #tpu.memory_space<vmem>>
      %dma_start3A_270 = arith.constant 0 : i32
      %dma_start3A_271 = tpu.memref_slice %arg5[%dma_start3A_264, %dma_start3A_270] : memref<16x100xi32, #tpu.memory_space<vmem>> -> memref<1x100xi32, #tpu.memory_space<vmem>>
      %dma_start3A_272 = tpu.memref_squeeze %dma_start3A_271 : memref<1x100xi32, #tpu.memory_space<vmem>> -> memref<100xi32, #tpu.memory_space<vmem>>
      %dma_start3A_273 = arith.constant 0 : i32
      %dma_start3A_274 = arith.constant 0 : i32
      %dma_start3A_275 = tpu.memref_slice %arg2[%dma_start3A_273, %dma_start3A_274] : memref<1000000x64xf32, #tpu.memory_space<hbm>> -> memref<1000000x64xf32, #tpu.memory_space<hbm>>
      tpu.enqueue_indirect_dma source(%dma_start3A_275 : memref<1000000x64xf32, #tpu.memory_space<hbm>>) target(%dma_start3A_269 : memref<100x64xf32, #tpu.memory_space<vmem>>) offsets(%dma_start3A_272 : memref<100xi32, #tpu.memory_space<vmem>>) semaphore(%arg8 : memref<!tpu.dma_semaphore, #tpu.memory_space<semaphore_mem>>)
      %dma_start3A_276 = arith.constant 11 : i32
      %dma_start3A_277 = arith.constant 1 : i32
      %dma_start3A_278 = arith.constant 100 : i32
      %dma_start3A_279 = arith.constant 0 : i32
      %dma_start3A_280 = tpu.memref_slice %arg7[%dma_start3A_277, %dma_start3A_278, %dma_start3A_279] : memref<4x200x64xf32, #tpu.memory_space<vmem>> -> memref<1x100x64xf32, #tpu.memory_space<vmem>>
      %dma_start3A_281 = tpu.memref_squeeze %dma_start3A_280 : memref<1x100x64xf32, #tpu.memory_space<vmem>> -> memref<100x64xf32, #tpu.memory_space<vmem>>
      %dma_start3A_282 = arith.constant 0 : i32
      %dma_start3A_283 = tpu.memref_slice %arg5[%dma_start3A_276, %dma_start3A_282] : memref<16x100xi32, #tpu.memory_space<vmem>> -> memref<1x100xi32, #tpu.memory_space<vmem>>
      %dma_start3A_284 = tpu.memref_squeeze %dma_start3A_283 : memref<1x100xi32, #tpu.memory_space<vmem>> -> memref<100xi32, #tpu.memory_space<vmem>>
      %dma_start3A_285 = arith.constant 0 : i32
      %dma_start3A_286 = arith.constant 0 : i32
      %dma_start3A_287 = tpu.memref_slice %arg2[%dma_start3A_285, %dma_start3A_286] : memref<1000000x64xf32, #tpu.memory_space<hbm>> -> memref<1000000x64xf32, #tpu.memory_space<hbm>>
      tpu.enqueue_indirect_dma source(%dma_start3A_287 : memref<1000000x64xf32, #tpu.memory_space<hbm>>) target(%dma_start3A_281 : memref<100x64xf32, #tpu.memory_space<vmem>>) offsets(%dma_start3A_284 : memref<100xi32, #tpu.memory_space<vmem>>) semaphore(%arg8 : memref<!tpu.dma_semaphore, #tpu.memory_space<semaphore_mem>>)
      %dma_start3A_288 = arith.constant 12 : i32
      %dma_start3A_289 = arith.constant 2 : i32
      %dma_start3A_290 = arith.constant 0 : i32
      %dma_start3A_291 = arith.constant 0 : i32
      %dma_start3A_292 = tpu.memref_slice %arg7[%dma_start3A_289, %dma_start3A_290, %dma_start3A_291] : memref<4x200x64xf32, #tpu.memory_space<vmem>> -> memref<1x100x64xf32, #tpu.memory_space<vmem>>
      %dma_start3A_293 = tpu.memref_squeeze %dma_start3A_292 : memref<1x100x64xf32, #tpu.memory_space<vmem>> -> memref<100x64xf32, #tpu.memory_space<vmem>>
      %dma_start3A_294 = arith.constant 0 : i32
      %dma_start3A_295 = tpu.memref_slice %arg5[%dma_start3A_288, %dma_start3A_294] : memref<16x100xi32, #tpu.memory_space<vmem>> -> memref<1x100xi32, #tpu.memory_space<vmem>>
      %dma_start3A_296 = tpu.memref_squeeze %dma_start3A_295 : memref<1x100xi32, #tpu.memory_space<vmem>> -> memref<100xi32, #tpu.memory_space<vmem>>
      %dma_start3A_297 = arith.constant 0 : i32
      %dma_start3A_298 = arith.constant 0 : i32
      %dma_start3A_299 = tpu.memref_slice %arg2[%dma_start3A_297, %dma_start3A_298] : memref<1000000x64xf32, #tpu.memory_space<hbm>> -> memref<1000000x64xf32, #tpu.memory_space<hbm>>
      tpu.enqueue_indirect_dma source(%dma_start3A_299 : memref<1000000x64xf32, #tpu.memory_space<hbm>>) target(%dma_start3A_293 : memref<100x64xf32, #tpu.memory_space<vmem>>) offsets(%dma_start3A_296 : memref<100xi32, #tpu.memory_space<vmem>>) semaphore(%arg8 : memref<!tpu.dma_semaphore, #tpu.memory_space<semaphore_mem>>)
      %dma_start3A_300 = arith.constant 13 : i32
      %dma_start3A_301 = arith.constant 2 : i32
      %dma_start3A_302 = arith.constant 100 : i32
      %dma_start3A_303 = arith.constant 0 : i32
      %dma_start3A_304 = tpu.memref_slice %arg7[%dma_start3A_301, %dma_start3A_302, %dma_start3A_303] : memref<4x200x64xf32, #tpu.memory_space<vmem>> -> memref<1x100x64xf32, #tpu.memory_space<vmem>>
      %dma_start3A_305 = tpu.memref_squeeze %dma_start3A_304 : memref<1x100x64xf32, #tpu.memory_space<vmem>> -> memref<100x64xf32, #tpu.memory_space<vmem>>
      %dma_start3A_306 = arith.constant 0 : i32
      %dma_start3A_307 = tpu.memref_slice %arg5[%dma_start3A_300, %dma_start3A_306] : memref<16x100xi32, #tpu.memory_space<vmem>> -> memref<1x100xi32, #tpu.memory_space<vmem>>
      %dma_start3A_308 = tpu.memref_squeeze %dma_start3A_307 : memref<1x100xi32, #tpu.memory_space<vmem>> -> memref<100xi32, #tpu.memory_space<vmem>>
      %dma_start3A_309 = arith.constant 0 : i32
      %dma_start3A_310 = arith.constant 0 : i32
      %dma_start3A_311 = tpu.memref_slice %arg2[%dma_start3A_309, %dma_start3A_310] : memref<1000000x64xf32, #tpu.memory_space<hbm>> -> memref<1000000x64xf32, #tpu.memory_space<hbm>>
      tpu.enqueue_indirect_dma source(%dma_start3A_311 : memref<1000000x64xf32, #tpu.memory_space<hbm>>) target(%dma_start3A_305 : memref<100x64xf32, #tpu.memory_space<vmem>>) offsets(%dma_start3A_308 : memref<100xi32, #tpu.memory_space<vmem>>) semaphore(%arg8 : memref<!tpu.dma_semaphore, #tpu.memory_space<semaphore_mem>>)
      %dma_start3A_312 = arith.constant 14 : i32
      %dma_start3A_313 = arith.constant 3 : i32
      %dma_start3A_314 = arith.constant 0 : i32
      %dma_start3A_315 = arith.constant 0 : i32
      %dma_start3A_316 = tpu.memref_slice %arg7[%dma_start3A_313, %dma_start3A_314, %dma_start3A_315] : memref<4x200x64xf32, #tpu.memory_space<vmem>> -> memref<1x100x64xf32, #tpu.memory_space<vmem>>
      %dma_start3A_317 = tpu.memref_squeeze %dma_start3A_316 : memref<1x100x64xf32, #tpu.memory_space<vmem>> -> memref<100x64xf32, #tpu.memory_space<vmem>>
      %dma_start3A_318 = arith.constant 0 : i32
      %dma_start3A_319 = tpu.memref_slice %arg5[%dma_start3A_312, %dma_start3A_318] : memref<16x100xi32, #tpu.memory_space<vmem>> -> memref<1x100xi32, #tpu.memory_space<vmem>>
      %dma_start3A_320 = tpu.memref_squeeze %dma_start3A_319 : memref<1x100xi32, #tpu.memory_space<vmem>> -> memref<100xi32, #tpu.memory_space<vmem>>
      %dma_start3A_321 = arith.constant 0 : i32
      %dma_start3A_322 = arith.constant 0 : i32
      %dma_start3A_323 = tpu.memref_slice %arg2[%dma_start3A_321, %dma_start3A_322] : memref<1000000x64xf32, #tpu.memory_space<hbm>> -> memref<1000000x64xf32, #tpu.memory_space<hbm>>
      tpu.enqueue_indirect_dma source(%dma_start3A_323 : memref<1000000x64xf32, #tpu.memory_space<hbm>>) target(%dma_start3A_317 : memref<100x64xf32, #tpu.memory_space<vmem>>) offsets(%dma_start3A_320 : memref<100xi32, #tpu.memory_space<vmem>>) semaphore(%arg8 : memref<!tpu.dma_semaphore, #tpu.memory_space<semaphore_mem>>)
      %dma_start3A_324 = arith.constant 15 : i32
      %dma_start3A_325 = arith.constant 3 : i32
      %dma_start3A_326 = arith.constant 100 : i32
      %dma_start3A_327 = arith.constant 0 : i32
      %dma_start3A_328 = tpu.memref_slice %arg7[%dma_start3A_325, %dma_start3A_326, %dma_start3A_327] : memref<4x200x64xf32, #tpu.memory_space<vmem>> -> memref<1x100x64xf32, #tpu.memory_space<vmem>>
      %dma_start3A_329 = tpu.memref_squeeze %dma_start3A_328 : memref<1x100x64xf32, #tpu.memory_space<vmem>> -> memref<100x64xf32, #tpu.memory_space<vmem>>
      %dma_start3A_330 = arith.constant 0 : i32
      %dma_start3A_331 = tpu.memref_slice %arg5[%dma_start3A_324, %dma_start3A_330] : memref<16x100xi32, #tpu.memory_space<vmem>> -> memref<1x100xi32, #tpu.memory_space<vmem>>
      %dma_start3A_332 = tpu.memref_squeeze %dma_start3A_331 : memref<1x100xi32, #tpu.memory_space<vmem>> -> memref<100xi32, #tpu.memory_space<vmem>>
      %dma_start3A_333 = arith.constant 0 : i32
      %dma_start3A_334 = arith.constant 0 : i32
      %dma_start3A_335 = tpu.memref_slice %arg2[%dma_start3A_333, %dma_start3A_334] : memref<1000000x64xf32, #tpu.memory_space<hbm>> -> memref<1000000x64xf32, #tpu.memory_space<hbm>>
      tpu.enqueue_indirect_dma source(%dma_start3A_335 : memref<1000000x64xf32, #tpu.memory_space<hbm>>) target(%dma_start3A_329 : memref<100x64xf32, #tpu.memory_space<vmem>>) offsets(%dma_start3A_332 : memref<100xi32, #tpu.memory_space<vmem>>) semaphore(%arg8 : memref<!tpu.dma_semaphore, #tpu.memory_space<semaphore_mem>>)
      %dma_wait3A_336 = arith.constant 8 : i32
      %dma_wait3A_337 = arith.constant 0 : i32
      %dma_wait3A_338 = arith.constant 0 : i32
      %dma_wait3A_339 = arith.constant 0 : i32
      %dma_wait3A_340 = tpu.memref_slice %arg7[%dma_wait3A_337, %dma_wait3A_338, %dma_wait3A_339] : memref<4x200x64xf32, #tpu.memory_space<vmem>> -> memref<1x100x64xf32, #tpu.memory_space<vmem>>
      %dma_wait3A_341 = tpu.memref_squeeze %dma_wait3A_340 : memref<1x100x64xf32, #tpu.memory_space<vmem>> -> memref<100x64xf32, #tpu.memory_space<vmem>>
      %dma_wait3A_342 = arith.constant 0 : i32
      %dma_wait3A_343 = tpu.memref_slice %arg5[%dma_wait3A_336, %dma_wait3A_342] : memref<16x100xi32, #tpu.memory_space<vmem>> -> memref<1x100xi32, #tpu.memory_space<vmem>>
      %dma_wait3A_344 = tpu.memref_squeeze %dma_wait3A_343 : memref<1x100xi32, #tpu.memory_space<vmem>> -> memref<100xi32, #tpu.memory_space<vmem>>
      %dma_wait3A_345 = arith.constant 0 : i32
      %dma_wait3A_346 = arith.constant 0 : i32
      %dma_wait3A_347 = tpu.memref_slice %arg2[%dma_wait3A_345, %dma_wait3A_346] : memref<1000000x64xf32, #tpu.memory_space<hbm>> -> memref<1000000x64xf32, #tpu.memory_space<hbm>>
      tpu.wait_indirect_dma semaphore(%arg8 : memref<!tpu.dma_semaphore, #tpu.memory_space<semaphore_mem>>) src(%dma_wait3A_347 : memref<1000000x64xf32, #tpu.memory_space<hbm>>) dst(%dma_wait3A_341 : memref<100x64xf32, #tpu.memory_space<vmem>>)
      %dma_wait3A_348 = arith.constant 9 : i32
      %dma_wait3A_349 = arith.constant 0 : i32
      %dma_wait3A_350 = arith.constant 100 : i32
      %dma_wait3A_351 = arith.constant 0 : i32
      %dma_wait3A_352 = tpu.memref_slice %arg7[%dma_wait3A_349, %dma_wait3A_350, %dma_wait3A_351] : memref<4x200x64xf32, #tpu.memory_space<vmem>> -> memref<1x100x64xf32, #tpu.memory_space<vmem>>
      %dma_wait3A_353 = tpu.memref_squeeze %dma_wait3A_352 : memref<1x100x64xf32, #tpu.memory_space<vmem>> -> memref<100x64xf32, #tpu.memory_space<vmem>>
      %dma_wait3A_354 = arith.constant 0 : i32
      %dma_wait3A_355 = tpu.memref_slice %arg5[%dma_wait3A_348, %dma_wait3A_354] : memref<16x100xi32, #tpu.memory_space<vmem>> -> memref<1x100xi32, #tpu.memory_space<vmem>>
      %dma_wait3A_356 = tpu.memref_squeeze %dma_wait3A_355 : memref<1x100xi32, #tpu.memory_space<vmem>> -> memref<100xi32, #tpu.memory_space<vmem>>
      %dma_wait3A_357 = arith.constant 0 : i32
      %dma_wait3A_358 = arith.constant 0 : i32
      %dma_wait3A_359 = tpu.memref_slice %arg2[%dma_wait3A_357, %dma_wait3A_358] : memref<1000000x64xf32, #tpu.memory_space<hbm>> -> memref<1000000x64xf32, #tpu.memory_space<hbm>>
      tpu.wait_indirect_dma semaphore(%arg8 : memref<!tpu.dma_semaphore, #tpu.memory_space<semaphore_mem>>) src(%dma_wait3A_359 : memref<1000000x64xf32, #tpu.memory_space<hbm>>) dst(%dma_wait3A_353 : memref<100x64xf32, #tpu.memory_space<vmem>>)
      %dma_wait3A_360 = arith.constant 10 : i32
      %dma_wait3A_361 = arith.constant 1 : i32
      %dma_wait3A_362 = arith.constant 0 : i32
      %dma_wait3A_363 = arith.constant 0 : i32
      %dma_wait3A_364 = tpu.memref_slice %arg7[%dma_wait3A_361, %dma_wait3A_362, %dma_wait3A_363] : memref<4x200x64xf32, #tpu.memory_space<vmem>> -> memref<1x100x64xf32, #tpu.memory_space<vmem>>
      %dma_wait3A_365 = tpu.memref_squeeze %dma_wait3A_364 : memref<1x100x64xf32, #tpu.memory_space<vmem>> -> memref<100x64xf32, #tpu.memory_space<vmem>>
      %dma_wait3A_366 = arith.constant 0 : i32
      %dma_wait3A_367 = tpu.memref_slice %arg5[%dma_wait3A_360, %dma_wait3A_366] : memref<16x100xi32, #tpu.memory_space<vmem>> -> memref<1x100xi32, #tpu.memory_space<vmem>>
      %dma_wait3A_368 = tpu.memref_squeeze %dma_wait3A_367 : memref<1x100xi32, #tpu.memory_space<vmem>> -> memref<100xi32, #tpu.memory_space<vmem>>
      %dma_wait3A_369 = arith.constant 0 : i32
      %dma_wait3A_370 = arith.constant 0 : i32
      %dma_wait3A_371 = tpu.memref_slice %arg2[%dma_wait3A_369, %dma_wait3A_370] : memref<1000000x64xf32, #tpu.memory_space<hbm>> -> memref<1000000x64xf32, #tpu.memory_space<hbm>>
      tpu.wait_indirect_dma semaphore(%arg8 : memref<!tpu.dma_semaphore, #tpu.memory_space<semaphore_mem>>) src(%dma_wait3A_371 : memref<1000000x64xf32, #tpu.memory_space<hbm>>) dst(%dma_wait3A_365 : memref<100x64xf32, #tpu.memory_space<vmem>>)
      %dma_wait3A_372 = arith.constant 11 : i32
      %dma_wait3A_373 = arith.constant 1 : i32
      %dma_wait3A_374 = arith.constant 100 : i32
      %dma_wait3A_375 = arith.constant 0 : i32
      %dma_wait3A_376 = tpu.memref_slice %arg7[%dma_wait3A_373, %dma_wait3A_374, %dma_wait3A_375] : memref<4x200x64xf32, #tpu.memory_space<vmem>> -> memref<1x100x64xf32, #tpu.memory_space<vmem>>
      %dma_wait3A_377 = tpu.memref_squeeze %dma_wait3A_376 : memref<1x100x64xf32, #tpu.memory_space<vmem>> -> memref<100x64xf32, #tpu.memory_space<vmem>>
      %dma_wait3A_378 = arith.constant 0 : i32
      %dma_wait3A_379 = tpu.memref_slice %arg5[%dma_wait3A_372, %dma_wait3A_378] : memref<16x100xi32, #tpu.memory_space<vmem>> -> memref<1x100xi32, #tpu.memory_space<vmem>>
      %dma_wait3A_380 = tpu.memref_squeeze %dma_wait3A_379 : memref<1x100xi32, #tpu.memory_space<vmem>> -> memref<100xi32, #tpu.memory_space<vmem>>
      %dma_wait3A_381 = arith.constant 0 : i32
      %dma_wait3A_382 = arith.constant 0 : i32
      %dma_wait3A_383 = tpu.memref_slice %arg2[%dma_wait3A_381, %dma_wait3A_382] : memref<1000000x64xf32, #tpu.memory_space<hbm>> -> memref<1000000x64xf32, #tpu.memory_space<hbm>>
      tpu.wait_indirect_dma semaphore(%arg8 : memref<!tpu.dma_semaphore, #tpu.memory_space<semaphore_mem>>) src(%dma_wait3A_383 : memref<1000000x64xf32, #tpu.memory_space<hbm>>) dst(%dma_wait3A_377 : memref<100x64xf32, #tpu.memory_space<vmem>>)
      %dma_wait3A_384 = arith.constant 12 : i32
      %dma_wait3A_385 = arith.constant 2 : i32
      %dma_wait3A_386 = arith.constant 0 : i32
      %dma_wait3A_387 = arith.constant 0 : i32
      %dma_wait3A_388 = tpu.memref_slice %arg7[%dma_wait3A_385, %dma_wait3A_386, %dma_wait3A_387] : memref<4x200x64xf32, #tpu.memory_space<vmem>> -> memref<1x100x64xf32, #tpu.memory_space<vmem>>
      %dma_wait3A_389 = tpu.memref_squeeze %dma_wait3A_388 : memref<1x100x64xf32, #tpu.memory_space<vmem>> -> memref<100x64xf32, #tpu.memory_space<vmem>>
      %dma_wait3A_390 = arith.constant 0 : i32
      %dma_wait3A_391 = tpu.memref_slice %arg5[%dma_wait3A_384, %dma_wait3A_390] : memref<16x100xi32, #tpu.memory_space<vmem>> -> memref<1x100xi32, #tpu.memory_space<vmem>>
      %dma_wait3A_392 = tpu.memref_squeeze %dma_wait3A_391 : memref<1x100xi32, #tpu.memory_space<vmem>> -> memref<100xi32, #tpu.memory_space<vmem>>
      %dma_wait3A_393 = arith.constant 0 : i32
      %dma_wait3A_394 = arith.constant 0 : i32
      %dma_wait3A_395 = tpu.memref_slice %arg2[%dma_wait3A_393, %dma_wait3A_394] : memref<1000000x64xf32, #tpu.memory_space<hbm>> -> memref<1000000x64xf32, #tpu.memory_space<hbm>>
      tpu.wait_indirect_dma semaphore(%arg8 : memref<!tpu.dma_semaphore, #tpu.memory_space<semaphore_mem>>) src(%dma_wait3A_395 : memref<1000000x64xf32, #tpu.memory_space<hbm>>) dst(%dma_wait3A_389 : memref<100x64xf32, #tpu.memory_space<vmem>>)
      %dma_wait3A_396 = arith.constant 13 : i32
      %dma_wait3A_397 = arith.constant 2 : i32
      %dma_wait3A_398 = arith.constant 100 : i32
      %dma_wait3A_399 = arith.constant 0 : i32
      %dma_wait3A_400 = tpu.memref_slice %arg7[%dma_wait3A_397, %dma_wait3A_398, %dma_wait3A_399] : memref<4x200x64xf32, #tpu.memory_space<vmem>> -> memref<1x100x64xf32, #tpu.memory_space<vmem>>
      %dma_wait3A_401 = tpu.memref_squeeze %dma_wait3A_400 : memref<1x100x64xf32, #tpu.memory_space<vmem>> -> memref<100x64xf32, #tpu.memory_space<vmem>>
      %dma_wait3A_402 = arith.constant 0 : i32
      %dma_wait3A_403 = tpu.memref_slice %arg5[%dma_wait3A_396, %dma_wait3A_402] : memref<16x100xi32, #tpu.memory_space<vmem>> -> memref<1x100xi32, #tpu.memory_space<vmem>>
      %dma_wait3A_404 = tpu.memref_squeeze %dma_wait3A_403 : memref<1x100xi32, #tpu.memory_space<vmem>> -> memref<100xi32, #tpu.memory_space<vmem>>
      %dma_wait3A_405 = arith.constant 0 : i32
      %dma_wait3A_406 = arith.constant 0 : i32
      %dma_wait3A_407 = tpu.memref_slice %arg2[%dma_wait3A_405, %dma_wait3A_406] : memref<1000000x64xf32, #tpu.memory_space<hbm>> -> memref<1000000x64xf32, #tpu.memory_space<hbm>>
      tpu.wait_indirect_dma semaphore(%arg8 : memref<!tpu.dma_semaphore, #tpu.memory_space<semaphore_mem>>) src(%dma_wait3A_407 : memref<1000000x64xf32, #tpu.memory_space<hbm>>) dst(%dma_wait3A_401 : memref<100x64xf32, #tpu.memory_space<vmem>>)
      %dma_wait3A_408 = arith.constant 14 : i32
      %dma_wait3A_409 = arith.constant 3 : i32
      %dma_wait3A_410 = arith.constant 0 : i32
      %dma_wait3A_411 = arith.constant 0 : i32
      %dma_wait3A_412 = tpu.memref_slice %arg7[%dma_wait3A_409, %dma_wait3A_410, %dma_wait3A_411] : memref<4x200x64xf32, #tpu.memory_space<vmem>> -> memref<1x100x64xf32, #tpu.memory_space<vmem>>
      %dma_wait3A_413 = tpu.memref_squeeze %dma_wait3A_412 : memref<1x100x64xf32, #tpu.memory_space<vmem>> -> memref<100x64xf32, #tpu.memory_space<vmem>>
      %dma_wait3A_414 = arith.constant 0 : i32
      %dma_wait3A_415 = tpu.memref_slice %arg5[%dma_wait3A_408, %dma_wait3A_414] : memref<16x100xi32, #tpu.memory_space<vmem>> -> memref<1x100xi32, #tpu.memory_space<vmem>>
      %dma_wait3A_416 = tpu.memref_squeeze %dma_wait3A_415 : memref<1x100xi32, #tpu.memory_space<vmem>> -> memref<100xi32, #tpu.memory_space<vmem>>
      %dma_wait3A_417 = arith.constant 0 : i32
      %dma_wait3A_418 = arith.constant 0 : i32
      %dma_wait3A_419 = tpu.memref_slice %arg2[%dma_wait3A_417, %dma_wait3A_418] : memref<1000000x64xf32, #tpu.memory_space<hbm>> -> memref<1000000x64xf32, #tpu.memory_space<hbm>>
      tpu.wait_indirect_dma semaphore(%arg8 : memref<!tpu.dma_semaphore, #tpu.memory_space<semaphore_mem>>) src(%dma_wait3A_419 : memref<1000000x64xf32, #tpu.memory_space<hbm>>) dst(%dma_wait3A_413 : memref<100x64xf32, #tpu.memory_space<vmem>>)
      %dma_wait3A_420 = arith.constant 15 : i32
      %dma_wait3A_421 = arith.constant 3 : i32
      %dma_wait3A_422 = arith.constant 100 : i32
      %dma_wait3A_423 = arith.constant 0 : i32
      %dma_wait3A_424 = tpu.memref_slice %arg7[%dma_wait3A_421, %dma_wait3A_422, %dma_wait3A_423] : memref<4x200x64xf32, #tpu.memory_space<vmem>> -> memref<1x100x64xf32, #tpu.memory_space<vmem>>
      %dma_wait3A_425 = tpu.memref_squeeze %dma_wait3A_424 : memref<1x100x64xf32, #tpu.memory_space<vmem>> -> memref<100x64xf32, #tpu.memory_space<vmem>>
      %dma_wait3A_426 = arith.constant 0 : i32
      %dma_wait3A_427 = tpu.memref_slice %arg5[%dma_wait3A_420, %dma_wait3A_426] : memref<16x100xi32, #tpu.memory_space<vmem>> -> memref<1x100xi32, #tpu.memory_space<vmem>>
      %dma_wait3A_428 = tpu.memref_squeeze %dma_wait3A_427 : memref<1x100xi32, #tpu.memory_space<vmem>> -> memref<100xi32, #tpu.memory_space<vmem>>
      %dma_wait3A_429 = arith.constant 0 : i32
      %dma_wait3A_430 = arith.constant 0 : i32
      %dma_wait3A_431 = tpu.memref_slice %arg2[%dma_wait3A_429, %dma_wait3A_430] : memref<1000000x64xf32, #tpu.memory_space<hbm>> -> memref<1000000x64xf32, #tpu.memory_space<hbm>>
      tpu.wait_indirect_dma semaphore(%arg8 : memref<!tpu.dma_semaphore, #tpu.memory_space<semaphore_mem>>) src(%dma_wait3A_431 : memref<1000000x64xf32, #tpu.memory_space<hbm>>) dst(%dma_wait3A_425 : memref<100x64xf32, #tpu.memory_space<vmem>>)
      %mul3A_432 = arith.constant 2 : i32
      %mul3A_433 = arith.muli %scan3A_23, %mul3A_432 : i32
      %mul3A_434 = arith.constant 4 : i32
      %mul3A_435 = arith.muli %mul3A_433, %mul3A_434 : i32
      %add3A_436 = arith.addi %mul3A_2, %mul3A_435 : i32
      %add3A_437 = arith.constant 4 : i32
      %add3A_438 = arith.addi %add3A_436, %add3A_437 : i32
      %dma_start3A_439 = arith.constant 0 : i32
      %dma_start3A_440 = arith.constant 0 : i32
      %dma_start3A_441 = tpu.memref_slice %arg4[%add3A_438, %dma_start3A_439, %dma_start3A_440] : memref<16384x200x64xf32, #tpu.memory_space<hbm>> -> memref<4x200x64xf32, #tpu.memory_space<hbm>>
      %dma_start3A_442 = arith.constant 0 : i32
      %dma_start3A_443 = arith.constant 0 : i32
      %dma_start3A_444 = tpu.memref_slice %arg4[%add3A_438, %dma_start3A_442, %dma_start3A_443] : memref<16384x200x64xf32, #tpu.memory_space<hbm>> -> memref<4x200x64xf32, #tpu.memory_space<hbm>>
      tpu.enqueue_dma source(%arg7 : memref<4x200x64xf32, #tpu.memory_space<vmem>>) target(%dma_start3A_444 : memref<4x200x64xf32, #tpu.memory_space<hbm>>) target_semaphore(%arg10 : memref<!tpu.dma_semaphore, #tpu.memory_space<semaphore_mem>>)
    }
    %scan3A_7 = arith.constant 64 : i32
    %dma_wait3A = arith.constant 0 : i32
    %dma_wait3A_8 = arith.constant 0 : i32
    %dma_wait3A_9 = arith.constant 0 : i32
    %dma_wait3A_10 = tpu.memref_slice %arg4[%dma_wait3A, %dma_wait3A_8, %dma_wait3A_9] : memref<16384x200x64xf32, #tpu.memory_space<hbm>> -> memref<4x200x64xf32, #tpu.memory_space<hbm>>
    %dma_wait3A_11 = arith.constant 0 : i32
    %dma_wait3A_12 = arith.constant 0 : i32
    %dma_wait3A_13 = arith.constant 0 : i32
    %dma_wait3A_14 = tpu.memref_slice %arg4[%dma_wait3A_11, %dma_wait3A_12, %dma_wait3A_13] : memref<16384x200x64xf32, #tpu.memory_space<hbm>> -> memref<4x200x64xf32, #tpu.memory_space<hbm>>
    tpu.wait_dma2 semaphore(%arg9 : memref<!tpu.dma_semaphore, #tpu.memory_space<semaphore_mem>>) src(%dma_wait3A_14 : memref<4x200x64xf32, #tpu.memory_space<hbm>>) dst(%arg6 : memref<4x200x64xf32, #tpu.memory_space<vmem>>)
    %dma_wait3A_15 = arith.constant 0 : i32
    %dma_wait3A_16 = arith.constant 0 : i32
    %dma_wait3A_17 = arith.constant 0 : i32
    %dma_wait3A_18 = tpu.memref_slice %arg4[%dma_wait3A_15, %dma_wait3A_16, %dma_wait3A_17] : memref<16384x200x64xf32, #tpu.memory_space<hbm>> -> memref<4x200x64xf32, #tpu.memory_space<hbm>>
    %dma_wait3A_19 = arith.constant 0 : i32
    %dma_wait3A_20 = arith.constant 0 : i32
    %dma_wait3A_21 = arith.constant 0 : i32
    %dma_wait3A_22 = tpu.memref_slice %arg4[%dma_wait3A_19, %dma_wait3A_20, %dma_wait3A_21] : memref<16384x200x64xf32, #tpu.memory_space<hbm>> -> memref<4x200x64xf32, #tpu.memory_space<hbm>>
    tpu.wait_dma2 semaphore(%arg10 : memref<!tpu.dma_semaphore, #tpu.memory_space<semaphore_mem>>) src(%dma_wait3A_22 : memref<4x200x64xf32, #tpu.memory_space<hbm>>) dst(%arg7 : memref<4x200x64xf32, #tpu.memory_space<vmem>>)
    return
  }
}

</mosaic_0001>

<sc_bundles>
// kernel: kernel.3.cloned.1.call-start
scs
__scs_entry_jumppad:
0x0: {  	(pc) =	sbr.rel $0x88, $3  }
0x1: {  	(tag) =	ssettag $0x0;
	lr =	simm.s32 $0x1  }
0x2: {  	[smem:$0x3F9F] =	sst lr;
	_ =	strace $0xD0000000  }
0x3: {  	_ = 	snop  }
0x4: {  	_ = 	snop  }
0x5: {  	_ = 	snop  }
0x6: {  	_ = 	snop  }
0x7: {  	_ = 	snop  }
__scs_overlays_trampoline_lowered:
0x8: {  	[smem:$0x3FAE] =	sst s0  }
0x9: {  	[smem:$0x3FAF] =	sst s1  }
0xa: {  	[smem:$0x3FB0] =	sst s2  }
0xb: {  	[smem:$0x3FB1] =	sst s3  }
0xc: {  	[smem:$0x3FB2] =	sst s4  }
0xd: {  	[smem:$0x3FB3] =	sst s5  }
0xe: {  	[smem:$0x3FB4] =	sst s6  }
0xf: {  	[smem:$0x3FB5] =	sst s7  }
0x10: {  	[smem:$0x3FB6] =	sst s8  }
0x11: {  	[smem:$0x3FB7] =	sst s9;
	s0 =	simm.s32 @!p0 $0x0  }
0x12: {  	s1 =	sld [smem:$0x3F9D];
	s0 =	simm.s32 @p0 $0x1  }
0x13: {  	[smem:$0x3FB8] =	sst s0;
	s0 =	simm.s32 @!p1 $0x0  }
0x14: {  	s2 =	sld [smem:$0x3F9C];
	s0 =	simm.s32 @p1 $0x1  }
0x15: {  	[smem:$0x3FB9] =	sst s0;
	s0 =	simm.s32 @!p2 $0x0  }
0x16: {  	s3 =	sld [smem:$0x3FDB];
	s0 =	simm.s32 @p2 $0x1  }
0x17: {  	s4 =	simm.s32 $0x1BF5;
	[smem:$0x3FBB] =	sst s0  }
0x18: {  	s0 =	sld [smem:$0x3F9E];
	_ =	swait.ge [sflag:s4], $0x0  }
0x19: {  	s7 =	sld [smem:$0x3F9F]  }
0x1a: {  	s8 =	sadd.s32 $0xFFFFE003, lr  }
0x1b: {  	s9 =	sadd.s32 $0xFFFFFEF7, lr;
	s5 =	simm.s32 $0xFFFFFFFF;
	p2 =	slt.u32 s8, $0xFFFFF086  }
0x1c: {  	p1 =	slt.u32 s9, $0xF7A;
	s5 =	simm.s32 @!p2 $0x0  }
0x1d: {  	s5 =	simm.s32 @p1 $0x1;
	p0 =	seq.s32 s7, s2  }
0x1e: {  	s7 =	smul.u32 @!p0 $0xF7A, s2;
	p2 =	seq.s32 @!p0 s5, $0x0  }
0x1f: {  	s9 =	smul.u32 $0xF7A, s1;
	s8 =	simm.s32 @!p0 $0x1BF5;
	p2 =	por !p2, p0  }
0x20: {  	[sflag:s8] =	ssyncset.s32 @!p0 $0xFFFFF086;
	s6 =	sadd.s32 @!p0 s3, s7;
	s7 =	simm.s32 @!p0 $0x108  }
0x21: {  	s3 =	sadd.s32 s3, s9;
	s6 =	sadd.s32 @!p0 $0x88, s6;
	s7 =	simm.s32 @p2 $0x1082  }
0x22: {  	[simem:s7], [sflag:s8] =	dma.local @!p0 [hbm:s6], $0xF7A  }
0x23: {  	s9 =	sor.u32 $0xD0000000, s2;
	s6 =	simm.s32 $0x108;
	_ =	swait.ge @!p0 [sflag:s8], $0x0  }
0x24: {  	s3 =	sadd.s32 $0x88, s3;
	s6 =	simm.s32 @!p1 $0x1082;
	[sflag:s4] =	ssyncset.s32 $0xFFFFF086  }
0x25: {  	[simem:s6], [sflag:s4] =	dma.local [hbm:s3], $0xF7A  }
0x26: {  	[smem:$0x3F9F] =	sst s1;
	(tag) =	ssettag s2;
	_ =	strace s9  }
0x27: {  	s1 =	sld [smem:$0x3FAF]  }
0x28: {  	s2 =	sld [smem:$0x3FB0]  }
0x29: {  	s4 =	sld [smem:$0x3FB2]  }
0x2a: {  	p0 =	seq.s32 s5, $0x0;
	s5 =	sld [smem:$0x3FB3]  }
0x2b: {  	s6 =	sld [smem:$0x3FB4]  }
0x2c: {  	s7 =	sld [smem:$0x3FB5]  }
0x2d: {  	s3 =	simm.s32 $0x108;
	s8 =	sld [smem:$0x3FB6]  }
0x2e: {  	s3 =	simm.s32 @!p0 $0x1082;
	s9 =	sld [smem:$0x3FB7]  }
0x2f: {  	lr =	sadd.s32 s0, s3;
	s0 =	sld [smem:$0x3FAE]  }
0x30: {  	s3 =	sld [smem:$0x3FB1]  }
0x31: {  	[smem:$0x3FBA] =	sst s10  }
0x32: {  	s10 =	sld [smem:$0x3FB8];
	_ =	sdelay $0x3  }
0x33: {  	p0 =	seq.s32 s10, $0x1;
	s10 =	sld [smem:$0x3FBA];
	_ =	sdelay $0x3  }
0x34: {  	[smem:$0x3FBA] =	sst s10  }
0x35: {  	s10 =	sld [smem:$0x3FB9];
	_ =	sdelay $0x3  }
0x36: {  	p1 =	seq.s32 s10, $0x1;
	s10 =	sld [smem:$0x3FBA];
	_ =	sdelay $0x3  }
0x37: {  	[smem:$0x3FBA] =	sst s10  }
0x38: {  	s10 =	sld [smem:$0x3FBB]  }
0x39: {  	_ = 	snop;
	(pc) =	sbr.ind lr, $3  }
0x3a: {  	_ = 	snop  }
0x3b: {  	_ = 	snop  }
0x3c: {  	p2 =	seq.s32 s10, $0x1;
	s10 =	sld [smem:$0x3FBA]  }
0x3d: {  	_ =	shalt  }
0x3e: {  	_ =	shalt  }
0x3f: {  	_ =	shalt  }
0x40: {  	_ =	shalt  }
0x41: {  	_ =	shalt  }
0x42: {  	_ =	shalt  }
0x43: {  	_ =	shalt  }
0x44: {  	_ =	shalt  }
0x45: {  	_ =	shalt  }
0x46: {  	_ =	shalt  }
0x47: {  	_ =	shalt  }
0x48: {  	_ =	shalt  }
0x49: {  	_ =	shalt  }
0x4a: {  	_ =	shalt  }
0x4b: {  	_ =	shalt  }
0x4c: {  	_ =	shalt  }
0x4d: {  	_ =	shalt  }
0x4e: {  	_ =	shalt  }
0x4f: {  	_ =	shalt  }
0x50: {  	_ =	shalt  }
0x51: {  	_ =	shalt  }
0x52: {  	_ =	shalt  }
0x53: {  	_ =	shalt  }
0x54: {  	_ =	shalt  }
0x55: {  	_ =	shalt  }
0x56: {  	_ =	shalt  }
0x57: {  	_ =	shalt  }
0x58: {  	_ =	shalt  }
0x59: {  	_ =	shalt  }
0x5a: {  	_ =	shalt  }
0x5b: {  	_ =	shalt  }
0x5c: {  	_ =	shalt  }
0x5d: {  	_ =	shalt  }
0x5e: {  	_ =	shalt  }
0x5f: {  	_ =	shalt  }
0x60: {  	_ =	shalt  }
0x61: {  	_ =	shalt  }
0x62: {  	_ =	shalt  }
0x63: {  	_ =	shalt  }
0x64: {  	_ =	shalt  }
0x65: {  	_ =	shalt  }
0x66: {  	_ =	shalt  }
0x67: {  	_ =	shalt  }
0x68: {  	_ =	shalt  }
0x69: {  	_ =	shalt  }
0x6a: {  	_ =	shalt  }
0x6b: {  	_ =	shalt  }
0x6c: {  	_ =	shalt  }
0x6d: {  	_ =	shalt  }
0x6e: {  	_ =	shalt  }
0x6f: {  	_ =	shalt  }
0x70: {  	_ =	shalt  }
0x71: {  	_ =	shalt  }
0x72: {  	_ =	shalt  }
0x73: {  	_ =	shalt  }
0x74: {  	_ =	shalt  }
0x75: {  	_ =	shalt  }
0x76: {  	_ =	shalt  }
0x77: {  	_ =	shalt  }
0x78: {  	_ =	shalt  }
0x79: {  	_ =	shalt  }
0x7a: {  	_ =	shalt  }
0x7b: {  	_ =	shalt  }
0x7c: {  	_ =	shalt  }
0x7d: {  	_ =	shalt  }
0x7e: {  	_ =	shalt  }
0x7f: {  	_ =	shalt  }
0x80: {  	_ =	shalt  }
0x81: {  	_ =	shalt  }
0x82: {  	_ =	shalt  }
0x83: {  	_ =	shalt  }
0x84: {  	_ =	shalt  }
0x85: {  	_ =	shalt  }
0x86: {  	_ =	shalt  }
0x87: {  	_ =	shalt  }
.Lfunc_end0:
.L_simem_size_0:
called_computation.1_lowered:
.L_overlay_start_0:
0x88: {  	s2 =	sld [smem:$0x3FD9]  }
0x89: {  	s3 =	sld [smem:$0x3FFE];
	_ =	sdelay $0x1  }
0x8a: {  	s1 =	srdreg.scid  }
0x8b: {  	s0 =	sand.u32 $0x1, s1  }
0x8c: {  	s17 =	sshll.u32 s0, $0xA;
	s2 =	sadd.s32 s3, s2  }
0x8d: {  	s2 =	sadd.s32 s2, s17  }
0x8e: {  	[smem:$0x3FC6] =	sst s2  }
0x8f: {  	_ = 	snop  }
0x90: {  	s2 =	sld [smem:$0x3FD0];
	(tm) =	ssettm $0x1  }
0x91: {  	s18 =	sld [smem:$0x3FFB];
	_ =	sdelay $0x3  }
0x92: {  	_ =	strace s18  }
0x93: {  	s3 =	sld [smem:$0x3FFC];
	_ =	sdelay $0x3  }
0x94: {  	_ =	strace s3  }
0x95: {  	s3 =	sld [smem:$0x3FFD];
	_ =	sdelay $0x3  }
0x96: {  	_ =	strace s3  }
0x97: {  	_ =	strace $0x8FFFFFFF  }
0x98: {  	s19 =	sld [smem:$0x3FDB];
	_ =	sdelay $0x1  }
0x99: {  	s4 =	simm.s32 $_scs_section_size  }
0x9a: {  	s5 =	simm.s32 $_size__tile_overlayer_lowered;
	s6 =	simm.s32 $_tile_overlayer_lowered  }
0x9b: {  	s22 =	simm.s32 $0x1BFF;
	s21 =	sshll.u32 s6, $0x1;
	s3 =	sadd.s32 s4, s19  }
0x9c: {  	s7 =	simm.s32 $0x0;
	s20 =	sshll.u32 s5, $0x1;
	s5 =	sadd.s32 s21, s3  }
0x9d: {  	[timem:s7], [sflag:s22] =	dma.local [hbm:s5], s20  }
0x9e: {  	_ =	swait.ge [sflag:s22], s20  }
0x9f: {  	s4 =	ssub.s32 $0x0, s20;
	[sflag:s22] =	ssyncset.done $0x0  }
0xa0: {  	[sflag:s22] =	ssyncadd.s32 s4;
	_ =	sdelay $0x1  }
0xa1: {  	s23 =	simm.s32 $0x1B8B  }
0xa2: {  	_ =	swait.ge [sflag:s23], $0x1  }
0xa3: {  	[sflag:s23] =	ssyncset.done $0x0  }
0xa4: {  	s25 =	simm.s32 $0x1B8E;
	s24 =	sld [smem:$0x3FFE];
	[sflag:s23] =	ssyncadd.s32 $0xFFFFFFFF  }
0xa5: {  	s26 =	simm.s32 $execute0_lowered;
	[smem:$0x3FD2] =	sst s25  }
0xa6: {  	s5 =	sshll.u32 s26, $0x1;
	_ =	strace $0x80000046;
	[dreg:$0x1] =	wrdreg $0xFFFFFFFF  }
0xa7: {  	s28 =	simm.s32 $_size_execute0_lowered;
	s3 =	sadd.s32 s3, s5;
	[dreg:$0x0] =	wrdreg $0x0  }
0xa8: {  	s5 =	sshll.u32 s28, $0x1;
	[dreg:$0x2] =	wrdreg s3  }
0xa9: {  	[dreg:$0x3] =	wrdreg s5  }
0xaa: {  	[dreg:$0x4] =	wrdreg $0xC0  }
0xab: {  	_ =	task [dreg:s7], $0x5FFFF  }
0xac: {  	[dreg:$0x1] =	wrdreg $0xFFFFFFFF  }
0xad: {  	[dreg:$0x0] =	wrdreg $0x60  }
0xae: {  	[dreg:$0x2] =	wrdreg s24  }
0xaf: {  	[dreg:$0x3] =	wrdreg s2  }
0xb0: {  	[dreg:$0x4] =	wrdreg $0x9  }
0xb1: {  	_ =	task.clear_ibuf [dreg:s7], $0x5FFFF;
	_ =	strace $0x90000046  }
0xb2: {  	s29 =	simm.s32 $0x9;
	_ =	strace $0x80000048  }
0xb3: {  	_ =	swait.ge [sflag:s29], $0x1  }
0xb4: {  	[sflag:s29] =	ssyncadd.s32 $0xFFFFFFFF  }
0xb5: {  	_ =	strace $0x90000048  }
0xb6: {  	_ =	sfence  }
0xb7: {  	s30 =	sld [smem:$0x0];
	_ =	sdelay $0x2  }
0xb8: {  	s31 =	sshll.u32 s1, $0xD;
	s1 =	sshrl.u32 s1, $0x2  }
0xb9: {  	s3 =	sand.u32 $0x4000, s31;
	s1 =	sadd.s32 s1, s30  }
0xba: {  	s0 =	sor.u32 s3, s0;
	s1 =	sshll.u32 s1, $0x11  }
0xbb: {  	s0 =	sor.u32 s1, s0  }
0xbc: {  	s0 =	sadd.s32 $0x8F2B, s0  }
0xbd: {  	[sflag:s0] =	ssyncadd.remote.s32 $0x1  }
0xbe: {  	_ =	sfence.sel $0xFFFF  }
0xbf: {  	[dreg:$0x0] =	wrdreg $0xFFFFFFFF;
	(pc) =	sbr.abs _section_cstart, $3  }
0xc0: {  	[dreg:$0x1] =	wrdreg $0xFFFFFFFF  }
0xc1: {  	_ =	task.clear_ibuf [dreg:s7], $0x2FFFF;
	_ =	strace $0x9FFFFFFF  }
0xc2: {  	(tm) =	ssettm $0x7FFFFFFF  }
0xc3: {  	_ =	shalt  }
tec
execute0_lowered:
.L_overlay_start_1:
0x0: {  	(tag) =	ssettag $0x1  }
0x1: {  	s0 =	stileid.u32;
	s1 =	srdreg.scid  }
0x2: {  	s4 =	sand.u32 $0x1, s1;
	s2 =	smul.u32 $0xC80000, s0  }
0x3: {  	s5 =	rddreg [dreg:$0x0];
	s3 =	smul.u32 $0x640000, s4  }
0x4: {  	s6 =	rddreg [dreg:$0x1]  }
0x5: {  	s1 =	rddreg [dreg:$0x2];
	s3 =	sadd.s32 s3, s2;
	s2 =	simm.s32 $0x0  }
0x6: {  	s12 =	simm.s32 $0x680;
	[smem:$0x7FF] =	sst s2  }
0x7: {  	s13 =	simm.s32 $0x340;
	_ =	strace $0x80000047;
	[dreg:$0x5] =	wrdreg s12  }
0x8: {  	s14 =	simm.s32 $0x3A8;
	[dreg:$0x6] =	wrdreg s13  }
0x9: {  	s15 =	simm.s32 $0xE780;
	[dreg:$0x7] =	wrdreg s14  }
0xa: {  	s17 =	simm.s32 $0x410;
	[dreg:$0x8] =	wrdreg s15  }
0xb: {  	s18 =	simm.s32 $0x10080;
	[dreg:$0x9] =	wrdreg s17  }
0xc: {  	s19 =	simm.s32 $0x478;
	[dreg:$0xa] =	wrdreg s18  }
0xd: {  	s21 =	simm.s32 $0x11980;
	s23 =	simm.s32 $0x4E0;
	[dreg:$0xb] =	wrdreg s19  }
0xe: {  	s24 =	simm.s32 $0x13280;
	s26 =	simm.s32 $0x548;
	[dreg:$0xc] =	wrdreg s21  }
0xf: {  	s28 =	simm.s32 $0x14B80;
	s29 =	simm.s32 $0x5B0;
	[dreg:$0xd] =	wrdreg s23  }
0x10: {  	s30 =	simm.s32 $0x16480;
	s31 =	simm.s32 $0x618;
	[dreg:$0xe] =	wrdreg s24  }
0x11: {  	s10 =	simm.s32 $0x17D80;
	s7 =	smul.u32 $0x190000, s0;
	[dreg:$0xf] =	wrdreg s26  }
0x12: {  	s9 =	simm.s32 $0xCE80;
	s16 =	smul.u32 $0x6800, s0;
	[dreg:$0x10] =	wrdreg s28  }
0x13: {  	s8 =	smul.u32 $0xC8000, s4;
	s20 =	ssub.s32 $0x2, s4;
	[dreg:$0x11] =	wrdreg s29  }
0x14: {  	s25 =	smul.u32 $0x3400, s4;
	s3 =	sor.u32 $0xC800, s3;
	[dreg:$0x12] =	wrdreg s30  }
0x15: {  	s22 =	sshrl.u32 s20, $0x1;
	s3 =	sshrl.u32 s3, $0x3;
	[dreg:$0x13] =	wrdreg s31  }
0x16: {  	[dreg:$0x14] =	wrdreg s10;
	s10 =	simm.s32 $0x2;
	s12 =	simm.s32 $0x0  }
0x17: {  	s3 =	sadd.s32 s3, s6;
	s6 =	sadd.s32 s7, s6;
	s7 =	ssub.s32 s20, s22  }
0x18: {  	[dreg:$0x3] =	wrdreg s3;
	s11 =	sadd.s32 s8, s6;
	s3 =	sadd.s32 $0x68800, s5  }
0x19: {  	s5 =	sadd.s32 s16, s5;
	s4 =	smax.u32 s7, $0x1;
	s6 =	simm.s32 $0x4  }
0x1a: {  	s7 =	simm.s32 $0x1;
	s8 =	simm.s32 $0x64;
	s5 =	sadd.s32 s25, s5  }
0x1b: {  	[dreg:$0x4] =	wrdreg s11;
	s11 =	simm.s32 $0x3;
	s5 =	sadd.s32 $0x800, s5  }
.LBB2_1:
0x1c: {  	[tilespmem:s2], [sflag:$0x4] =	stream.linear.gather [hbm4b:s5+s2], $0x680, $0x38;
	[tilespmem:$0x19680] =	vst v63  }
0x1d: {  	p0 =	por $0x1, $0x1;
	_ =	swait.ge [sflag:s6], $0x680  }
0x1e: {  	s13 =	simm.s32 @p0 $0x64;
	[sflag:s6] =	ssyncset.done $0x0  }
0x1f: {  	s14 =	simm.s32 @p0 $0x0;
	s15 =	simm.s32 @p0 $0x680;
	[sflag:s6] =	ssyncadd.s32 $0xFFFFF980  }
0x20: {  	[tilespmem:s15], [sflag:$0x1] =	stream.indirect.gather @p0 [hbm4b:s3+s13], $0x40, s14, s13, $0xb8;
	[tilespmem:$0x19680] =	vst v63  }
0x21: {  	s14 =	simm.s32 @p0 $0x68;
	s15 =	simm.s32 @p0 $0x1F80  }
0x22: {  	[tilespmem:s15], [sflag:$0x1] =	stream.indirect.gather @p0 [hbm4b:s3+s13], $0x40, s14, s13, $0xb8;
	[tilespmem:$0x19680] =	vst v63  }
0x23: {  	s14 =	simm.s32 @p0 $0xD0;
	s15 =	simm.s32 @p0 $0x3880  }
0x24: {  	[tilespmem:s15], [sflag:$0x1] =	stream.indirect.gather @p0 [hbm4b:s3+s13], $0x40, s14, s13, $0xb8;
	[tilespmem:$0x19680] =	vst v63  }
0x25: {  	s14 =	simm.s32 @p0 $0x138;
	s15 =	simm.s32 @p0 $0x5180  }
0x26: {  	[tilespmem:s15], [sflag:$0x1] =	stream.indirect.gather @p0 [hbm4b:s3+s13], $0x40, s14, s13, $0xb8;
	[tilespmem:$0x19680] =	vst v63  }
0x27: {  	s14 =	simm.s32 @p0 $0x1A0;
	s15 =	simm.s32 @p0 $0x6A80  }
0x28: {  	[tilespmem:s15], [sflag:$0x1] =	stream.indirect.gather @p0 [hbm4b:s3+s13], $0x40, s14, s13, $0xb8;
	[tilespmem:$0x19680] =	vst v63  }
0x29: {  	s14 =	simm.s32 @p0 $0x208;
	s15 =	simm.s32 @p0 $0x8380  }
0x2a: {  	[tilespmem:s15], [sflag:$0x1] =	stream.indirect.gather @p0 [hbm4b:s3+s13], $0x40, s14, s13, $0xb8;
	[tilespmem:$0x19680] =	vst v63  }
0x2b: {  	s14 =	simm.s32 @p0 $0x270;
	s15 =	simm.s32 @p0 $0x9C80  }
0x2c: {  	[tilespmem:s15], [sflag:$0x1] =	stream.indirect.gather @p0 [hbm4b:s3+s13], $0x40, s14, s13, $0xb8;
	[tilespmem:$0x19680] =	vst v63  }
0x2d: {  	s16 =	simm.s32 @!p0 $0x2;
	s14 =	simm.s32 @p0 $0x2D8;
	s15 =	simm.s32 @p0 $0xB580  }
0x2e: {  	[tilespmem:s15], [sflag:$0x1] =	stream.indirect.gather @p0 [hbm4b:s3+s13], $0x40, s14, s13, $0xb8;
	[tilespmem:$0x19680] =	vst v63  }
0x2f: {  	_ =	swait.ge @!p0 [sflag:s16], $0xC800  }
0x30: {  	s13 =	simm.s32 @!p0 $0x680;
	[sflag:s16] =	ssyncset.done @!p0 $0x0  }
0x31: {  	s14 =	simm.s32 @!p0 $0x64;
	s15 =	simm.s32 @!p0 $0x0;
	[sflag:s16] =	ssyncadd.s32 @!p0 $0xFFFF3800  }
0x32: {  	[tilespmem:s13], [sflag:$0x1] =	stream.indirect.gather @!p0 [hbm4b:s3+s14], $0x40, s15, s14, $0xb8;
	[tilespmem:$0x19680] =	vst v63  }
0x33: {  	s13 =	simm.s32 @!p0 $0x68;
	s15 =	simm.s32 @!p0 $0x1F80  }
0x34: {  	[tilespmem:s15], [sflag:$0x1] =	stream.indirect.gather @!p0 [hbm4b:s3+s14], $0x40, s13, s14, $0xb8;
	[tilespmem:$0x19680] =	vst v63  }
0x35: {  	s13 =	simm.s32 @!p0 $0xD0;
	s15 =	simm.s32 @!p0 $0x3880  }
0x36: {  	[tilespmem:s15], [sflag:$0x1] =	stream.indirect.gather @!p0 [hbm4b:s3+s14], $0x40, s13, s14, $0xb8;
	[tilespmem:$0x19680] =	vst v63  }
0x37: {  	s13 =	simm.s32 @!p0 $0x138;
	s15 =	simm.s32 @!p0 $0x5180  }
0x38: {  	[tilespmem:s15], [sflag:$0x1] =	stream.indirect.gather @!p0 [hbm4b:s3+s14], $0x40, s13, s14, $0xb8;
	[tilespmem:$0x19680] =	vst v63  }
0x39: {  	s13 =	simm.s32 @!p0 $0x1A0;
	s15 =	simm.s32 @!p0 $0x6A80  }
0x3a: {  	[tilespmem:s15], [sflag:$0x1] =	stream.indirect.gather @!p0 [hbm4b:s3+s14], $0x40, s13, s14, $0xb8;
	[tilespmem:$0x19680] =	vst v63  }
0x3b: {  	s13 =	simm.s32 @!p0 $0x208;
	s15 =	simm.s32 @!p0 $0x8380  }
0x3c: {  	[tilespmem:s15], [sflag:$0x1] =	stream.indirect.gather @!p0 [hbm4b:s3+s14], $0x40, s13, s14, $0xb8;
	[tilespmem:$0x19680] =	vst v63  }
0x3d: {  	s13 =	simm.s32 @!p0 $0x270;
	s15 =	simm.s32 @!p0 $0x9C80  }
0x3e: {  	[tilespmem:s15], [sflag:$0x1] =	stream.indirect.gather @!p0 [hbm4b:s3+s14], $0x40, s13, s14, $0xb8;
	[tilespmem:$0x19680] =	vst v63  }
0x3f: {  	s16 =	simm.s32 @!p0 $0x3;
	s13 =	simm.s32 @!p0 $0x2D8;
	s15 =	simm.s32 @!p0 $0xB580  }
0x40: {  	[tilespmem:s15], [sflag:$0x1] =	stream.indirect.gather @!p0 [hbm4b:s3+s14], $0x40, s13, s14, $0xb8;
	[tilespmem:$0x19680] =	vst v63  }
0x41: {  	_ =	swait.ge @!p0 [sflag:s16], $0xC800  }
0x42: {  	[sflag:s16] =	ssyncset.done @!p0 $0x0  }
0x43: {  	[sflag:s16] =	ssyncadd.s32 @!p0 $0xFFFF3800  }
0x44: {  	_ =	swait.ge [sflag:s7], $0x1900  }
0x45: {  	[sflag:s7] =	ssyncset.done $0x0  }
0x46: {  	[sflag:s7] =	ssyncadd.s32 $0xFFFFE700  }
0x47: {  	_ =	swait.ge [sflag:s7], $0x1900  }
0x48: {  	[sflag:s7] =	ssyncset.done $0x0  }
0x49: {  	[sflag:s7] =	ssyncadd.s32 $0xFFFFE700  }
0x4a: {  	_ =	swait.ge [sflag:s7], $0x1900  }
0x4b: {  	[sflag:s7] =	ssyncset.done $0x0  }
0x4c: {  	[sflag:s7] =	ssyncadd.s32 $0xFFFFE700  }
0x4d: {  	_ =	swait.ge [sflag:s7], $0x1900  }
0x4e: {  	[sflag:s7] =	ssyncset.done $0x0  }
0x4f: {  	[sflag:s7] =	ssyncadd.s32 $0xFFFFE700  }
0x50: {  	_ =	swait.ge [sflag:s7], $0x1900  }
0x51: {  	[sflag:s7] =	ssyncset.done $0x0  }
0x52: {  	[sflag:s7] =	ssyncadd.s32 $0xFFFFE700  }
0x53: {  	_ =	swait.ge [sflag:s7], $0x1900  }
0x54: {  	[sflag:s7] =	ssyncset.done $0x0  }
0x55: {  	[sflag:s7] =	ssyncadd.s32 $0xFFFFE700  }
0x56: {  	_ =	swait.ge [sflag:s7], $0x1900  }
0x57: {  	[sflag:s7] =	ssyncset.done $0x0  }
0x58: {  	[sflag:s7] =	ssyncadd.s32 $0xFFFFE700  }
0x59: {  	_ =	swait.ge [sflag:s7], $0x1900  }
0x5a: {  	s13 =	rddreg [dreg:$0x12]  }
0x5b: {  	s14 =	rddreg [dreg:$0x10]  }
0x5c: {  	s31 =	rddreg [dreg:$0xe]  }
0x5d: {  	s23 =	rddreg [dreg:$0x6]  }
0x5e: {  	s17 =	rddreg [dreg:$0x8]  }
0x5f: {  	s18 =	rddreg [dreg:$0x5]  }
0x60: {  	s19 =	rddreg [dreg:$0x4]  }
0x61: {  	s20 =	rddreg [dreg:$0x7];
	[sflag:s7] =	ssyncset.done $0x0  }
0x62: {  	s21 =	rddreg [dreg:$0xd];
	[sflag:s7] =	ssyncadd.s32 $0xFFFFE700;
	s19 =	sadd.s32 $0x0, s19  }
0x63: {  	[hbm4b:s19+s2] =	stream.linear.scatter [tilespmem:s18], [sflag:$0x2], $0xC800, $0x38;
	[tilespmem:$0x19680] =	vst v63  }
0x64: {  	s22 =	rddreg [dreg:$0xc]  }
0x65: {  	[tilespmem:s9], [sflag:$0x1] =	stream.indirect.gather [hbm4b:s3+s8], $0x40, s23, s8, $0xb8;
	[tilespmem:$0x19680] =	vst v63  }
0x66: {  	s24 =	rddreg [dreg:$0xa]  }
0x67: {  	[tilespmem:s17], [sflag:$0x1] =	stream.indirect.gather [hbm4b:s3+s8], $0x40, s20, s8, $0xb8;
	[tilespmem:$0x19680] =	vst v63  }
0x68: {  	s25 =	rddreg [dreg:$0x9]  }
0x69: {  	[tilespmem:s24], [sflag:$0x1] =	stream.indirect.gather [hbm4b:s3+s8], $0x40, s25, s8, $0xb8;
	[tilespmem:$0x19680] =	vst v63  }
0x6a: {  	s26 =	rddreg [dreg:$0xb]  }
0x6b: {  	[tilespmem:s22], [sflag:$0x1] =	stream.indirect.gather [hbm4b:s3+s8], $0x40, s26, s8, $0xb8;
	[tilespmem:$0x19680] =	vst v63  }
0x6c: {  	s28 =	rddreg [dreg:$0x14]  }
0x6d: {  	[tilespmem:s31], [sflag:$0x1] =	stream.indirect.gather [hbm4b:s3+s8], $0x40, s21, s8, $0xb8;
	[tilespmem:$0x19680] =	vst v63  }
0x6e: {  	s29 =	rddreg [dreg:$0xf]  }
0x6f: {  	[tilespmem:s14], [sflag:$0x1] =	stream.indirect.gather [hbm4b:s3+s8], $0x40, s29, s8, $0xb8;
	[tilespmem:$0x19680] =	vst v63  }
0x70: {  	s30 =	rddreg [dreg:$0x11]  }
0x71: {  	[tilespmem:s13], [sflag:$0x1] =	stream.indirect.gather [hbm4b:s3+s8], $0x40, s30, s8, $0xb8;
	[tilespmem:$0x19680] =	vst v63  }
0x72: {  	s31 =	rddreg [dreg:$0x13]  }
0x73: {  	[tilespmem:s28], [sflag:$0x1] =	stream.indirect.gather [hbm4b:s3+s8], $0x40, s31, s8, $0xb8;
	[tilespmem:$0x19680] =	vst v63  }
0x74: {  	_ =	swait.ge [sflag:s7], $0x1900  }
0x75: {  	[sflag:s7] =	ssyncset.done $0x0  }
0x76: {  	[sflag:s7] =	ssyncadd.s32 $0xFFFFE700  }
0x77: {  	_ =	swait.ge [sflag:s7], $0x1900  }
0x78: {  	[sflag:s7] =	ssyncset.done $0x0  }
0x79: {  	[sflag:s7] =	ssyncadd.s32 $0xFFFFE700  }
0x7a: {  	_ =	swait.ge [sflag:s7], $0x1900  }
0x7b: {  	[sflag:s7] =	ssyncset.done $0x0  }
0x7c: {  	[sflag:s7] =	ssyncadd.s32 $0xFFFFE700  }
0x7d: {  	_ =	swait.ge [sflag:s7], $0x1900  }
0x7e: {  	[sflag:s7] =	ssyncset.done $0x0  }
0x7f: {  	[sflag:s7] =	ssyncadd.s32 $0xFFFFE700  }
0x80: {  	_ =	swait.ge [sflag:s7], $0x1900  }
0x81: {  	[sflag:s7] =	ssyncset.done $0x0  }
0x82: {  	[sflag:s7] =	ssyncadd.s32 $0xFFFFE700  }
0x83: {  	_ =	swait.ge [sflag:s7], $0x1900  }
0x84: {  	s15 =	smov.u32 s5;
	[sflag:s7] =	ssyncset.done $0x0  }
0x85: {  	s14 =	simm.s32 $0x3200;
	s13 =	simm.s32 $0x0;
	[sflag:s7] =	ssyncadd.s32 $0xFFFFE700  }
.LBB2_2:
0x86: {  	_ =	swait.ge [sflag:s7], $0x1900  }
0x87: {  	[sflag:s7] =	ssyncset.done $0x0  }
0x88: {  	[sflag:s7] =	ssyncadd.s32 $0xFFFFE700  }
0x89: {  	_ =	swait.ge [sflag:s7], $0x1900  }
0x8a: {  	[sflag:s7] =	ssyncset.done $0x0;
	s17 =	rddreg [dreg:$0x3]  }
0x8b: {  	s16 =	smov.u32 s14;
	[sflag:s7] =	ssyncadd.s32 $0xFFFFE700;
	s17 =	sadd.s32 s13, s17  }
0x8c: {  	[hbm4b:s17+s2] =	stream.linear.scatter [tilespmem:s9], [sflag:$0x3], $0xC800, $0x38;
	[tilespmem:$0x19680] =	vst v63  }
0x8d: {  	s15 =	sadd.s32 $0xD0, s15;
	s13 =	smov.u32 s16  }
0x8e: {  	[tilespmem:s2], [sflag:$0x4] =	stream.linear.gather [hbm4b:s15+s2], $0x680, $0x38;
	[tilespmem:$0x19680] =	vst v63  }
0x8f: {  	p1 =	seq.s32 s13, $0x0;
	_ =	swait.ge [sflag:s6], $0x680  }
0x90: {  	s16 =	simm.s32 @p1 $0x64;
	[sflag:s6] =	ssyncset.done $0x0  }
0x91: {  	s17 =	simm.s32 @p1 $0x0;
	s18 =	simm.s32 @p1 $0x680;
	[sflag:s6] =	ssyncadd.s32 $0xFFFFF980  }
0x92: {  	[tilespmem:s18], [sflag:$0x1] =	stream.indirect.gather @p1 [hbm4b:s3+s16], $0x40, s17, s16, $0xb8;
	[tilespmem:$0x19680] =	vst v63  }
0x93: {  	s17 =	simm.s32 @p1 $0x68;
	s18 =	simm.s32 @p1 $0x1F80  }
0x94: {  	[tilespmem:s18], [sflag:$0x1] =	stream.indirect.gather @p1 [hbm4b:s3+s16], $0x40, s17, s16, $0xb8;
	[tilespmem:$0x19680] =	vst v63  }
0x95: {  	s17 =	simm.s32 @p1 $0xD0;
	s18 =	simm.s32 @p1 $0x3880  }
0x96: {  	[tilespmem:s18], [sflag:$0x1] =	stream.indirect.gather @p1 [hbm4b:s3+s16], $0x40, s17, s16, $0xb8;
	[tilespmem:$0x19680] =	vst v63  }
0x97: {  	s17 =	simm.s32 @p1 $0x138;
	s18 =	simm.s32 @p1 $0x5180  }
0x98: {  	[tilespmem:s18], [sflag:$0x1] =	stream.indirect.gather @p1 [hbm4b:s3+s16], $0x40, s17, s16, $0xb8;
	[tilespmem:$0x19680] =	vst v63  }
0x99: {  	s17 =	simm.s32 @p1 $0x1A0;
	s18 =	simm.s32 @p1 $0x6A80  }
0x9a: {  	[tilespmem:s18], [sflag:$0x1] =	stream.indirect.gather @p1 [hbm4b:s3+s16], $0x40, s17, s16, $0xb8;
	[tilespmem:$0x19680] =	vst v63  }
0x9b: {  	s17 =	simm.s32 @p1 $0x208;
	s18 =	simm.s32 @p1 $0x8380  }
0x9c: {  	[tilespmem:s18], [sflag:$0x1] =	stream.indirect.gather @p1 [hbm4b:s3+s16], $0x40, s17, s16, $0xb8;
	[tilespmem:$0x19680] =	vst v63  }
0x9d: {  	s17 =	simm.s32 @p1 $0x270;
	s18 =	simm.s32 @p1 $0x9C80  }
0x9e: {  	[tilespmem:s18], [sflag:$0x1] =	stream.indirect.gather @p1 [hbm4b:s3+s16], $0x40, s17, s16, $0xb8;
	[tilespmem:$0x19680] =	vst v63  }
0x9f: {  	s19 =	simm.s32 @!p1 $0x2;
	s17 =	simm.s32 @p1 $0x2D8;
	s18 =	simm.s32 @p1 $0xB580  }
0xa0: {  	[tilespmem:s18], [sflag:$0x1] =	stream.indirect.gather @p1 [hbm4b:s3+s16], $0x40, s17, s16, $0xb8;
	[tilespmem:$0x19680] =	vst v63  }
0xa1: {  	_ =	swait.ge @!p1 [sflag:s19], $0xC800  }
0xa2: {  	s16 =	simm.s32 @!p1 $0x680;
	[sflag:s19] =	ssyncset.done @!p1 $0x0  }
0xa3: {  	s17 =	simm.s32 @!p1 $0x64;
	s18 =	simm.s32 @!p1 $0x0;
	[sflag:s19] =	ssyncadd.s32 @!p1 $0xFFFF3800  }
0xa4: {  	[tilespmem:s16], [sflag:$0x1] =	stream.indirect.gather @!p1 [hbm4b:s3+s17], $0x40, s18, s17, $0xb8;
	[tilespmem:$0x19680] =	vst v63  }
0xa5: {  	s16 =	simm.s32 @!p1 $0x68;
	s18 =	simm.s32 @!p1 $0x1F80  }
0xa6: {  	[tilespmem:s18], [sflag:$0x1] =	stream.indirect.gather @!p1 [hbm4b:s3+s17], $0x40, s16, s17, $0xb8;
	[tilespmem:$0x19680] =	vst v63  }
0xa7: {  	s16 =	simm.s32 @!p1 $0xD0;
	s18 =	simm.s32 @!p1 $0x3880  }
0xa8: {  	[tilespmem:s18], [sflag:$0x1] =	stream.indirect.gather @!p1 [hbm4b:s3+s17], $0x40, s16, s17, $0xb8;
	[tilespmem:$0x19680] =	vst v63  }
0xa9: {  	s16 =	simm.s32 @!p1 $0x138;
	s18 =	simm.s32 @!p1 $0x5180  }
0xaa: {  	[tilespmem:s18], [sflag:$0x1] =	stream.indirect.gather @!p1 [hbm4b:s3+s17], $0x40, s16, s17, $0xb8;
	[tilespmem:$0x19680] =	vst v63  }
0xab: {  	s16 =	simm.s32 @!p1 $0x1A0;
	s18 =	simm.s32 @!p1 $0x6A80  }
0xac: {  	[tilespmem:s18], [sflag:$0x1] =	stream.indirect.gather @!p1 [hbm4b:s3+s17], $0x40, s16, s17, $0xb8;
	[tilespmem:$0x19680] =	vst v63  }
0xad: {  	s16 =	simm.s32 @!p1 $0x208;
	s18 =	simm.s32 @!p1 $0x8380  }
0xae: {  	[tilespmem:s18], [sflag:$0x1] =	stream.indirect.gather @!p1 [hbm4b:s3+s17], $0x40, s16, s17, $0xb8;
	[tilespmem:$0x19680] =	vst v63  }
0xaf: {  	s16 =	simm.s32 @!p1 $0x270;
	s18 =	simm.s32 @!p1 $0x9C80  }
0xb0: {  	[tilespmem:s18], [sflag:$0x1] =	stream.indirect.gather @!p1 [hbm4b:s3+s17], $0x40, s16, s17, $0xb8;
	[tilespmem:$0x19680] =	vst v63  }
0xb1: {  	s19 =	simm.s32 @!p1 $0x3;
	s16 =	simm.s32 @!p1 $0x2D8;
	s18 =	simm.s32 @!p1 $0xB580  }
0xb2: {  	[tilespmem:s18], [sflag:$0x1] =	stream.indirect.gather @!p1 [hbm4b:s3+s17], $0x40, s16, s17, $0xb8;
	[tilespmem:$0x19680] =	vst v63  }
0xb3: {  	_ =	swait.ge @!p1 [sflag:s19], $0xC800  }
0xb4: {  	[sflag:s19] =	ssyncset.done @!p1 $0x0  }
0xb5: {  	[sflag:s19] =	ssyncadd.s32 @!p1 $0xFFFF3800  }
0xb6: {  	_ =	swait.ge [sflag:s7], $0x1900  }
0xb7: {  	[sflag:s7] =	ssyncset.done $0x0  }
0xb8: {  	[sflag:s7] =	ssyncadd.s32 $0xFFFFE700  }
0xb9: {  	_ =	swait.ge [sflag:s7], $0x1900  }
0xba: {  	[sflag:s7] =	ssyncset.done $0x0  }
0xbb: {  	[sflag:s7] =	ssyncadd.s32 $0xFFFFE700  }
0xbc: {  	_ =	swait.ge [sflag:s7], $0x1900  }
0xbd: {  	[sflag:s7] =	ssyncset.done $0x0  }
0xbe: {  	[sflag:s7] =	ssyncadd.s32 $0xFFFFE700  }
0xbf: {  	_ =	swait.ge [sflag:s7], $0x1900  }
0xc0: {  	[sflag:s7] =	ssyncset.done $0x0  }
0xc1: {  	[sflag:s7] =	ssyncadd.s32 $0xFFFFE700  }
0xc2: {  	_ =	swait.ge [sflag:s7], $0x1900  }
0xc3: {  	[sflag:s7] =	ssyncset.done $0x0  }
0xc4: {  	[sflag:s7] =	ssyncadd.s32 $0xFFFFE700  }
0xc5: {  	_ =	swait.ge [sflag:s7], $0x1900  }
0xc6: {  	[sflag:s7] =	ssyncset.done $0x0  }
0xc7: {  	[sflag:s7] =	ssyncadd.s32 $0xFFFFE700  }
0xc8: {  	_ =	swait.ge [sflag:s7], $0x1900  }
0xc9: {  	[sflag:s7] =	ssyncset.done $0x0  }
0xca: {  	[sflag:s7] =	ssyncadd.s32 $0xFFFFE700  }
0xcb: {  	_ =	swait.ge [sflag:s7], $0x1900  }
0xcc: {  	s16 =	rddreg [dreg:$0x12]  }
0xcd: {  	s17 =	rddreg [dreg:$0x10]  }
0xce: {  	s18 =	rddreg [dreg:$0xe]  }
0xcf: {  	s30 =	rddreg [dreg:$0x6]  }
0xd0: {  	s20 =	rddreg [dreg:$0x8]  }
0xd1: {  	s21 =	rddreg [dreg:$0x5]  }
0xd2: {  	s22 =	rddreg [dreg:$0x4]  }
0xd3: {  	[sflag:s7] =	ssyncset.done $0x0;
	s23 =	rddreg [dreg:$0x7]  }
0xd4: {  	s24 =	rddreg [dreg:$0xd];
	[sflag:s7] =	ssyncadd.s32 $0xFFFFE700;
	s22 =	sadd.s32 s13, s22  }
0xd5: {  	[hbm4b:s22+s2] =	stream.linear.scatter [tilespmem:s21], [sflag:$0x2], $0xC800, $0x38;
	[tilespmem:$0x19680] =	vst v63  }
0xd6: {  	s25 =	rddreg [dreg:$0xc]  }
0xd7: {  	[tilespmem:s9], [sflag:$0x1] =	stream.indirect.gather [hbm4b:s3+s8], $0x40, s30, s8, $0xb8;
	[tilespmem:$0x19680] =	vst v63  }
0xd8: {  	s31 =	rddreg [dreg:$0xa]  }
0xd9: {  	[tilespmem:s20], [sflag:$0x1] =	stream.indirect.gather [hbm4b:s3+s8], $0x40, s23, s8, $0xb8;
	[tilespmem:$0x19680] =	vst v63  }
0xda: {  	s22 =	rddreg [dreg:$0x9]  }
0xdb: {  	[tilespmem:s31], [sflag:$0x1] =	stream.indirect.gather [hbm4b:s3+s8], $0x40, s22, s8, $0xb8;
	[tilespmem:$0x19680] =	vst v63  }
0xdc: {  	s26 =	rddreg [dreg:$0xb]  }
0xdd: {  	[tilespmem:s25], [sflag:$0x1] =	stream.indirect.gather [hbm4b:s3+s8], $0x40, s26, s8, $0xb8;
	[tilespmem:$0x19680] =	vst v63  }
0xde: {  	s28 =	rddreg [dreg:$0x14]  }
0xdf: {  	[tilespmem:s18], [sflag:$0x1] =	stream.indirect.gather [hbm4b:s3+s8], $0x40, s24, s8, $0xb8;
	[tilespmem:$0x19680] =	vst v63  }
0xe0: {  	s29 =	rddreg [dreg:$0xf]  }
0xe1: {  	[tilespmem:s17], [sflag:$0x1] =	stream.indirect.gather [hbm4b:s3+s8], $0x40, s29, s8, $0xb8;
	[tilespmem:$0x19680] =	vst v63  }
0xe2: {  	s30 =	rddreg [dreg:$0x11]  }
0xe3: {  	[tilespmem:s16], [sflag:$0x1] =	stream.indirect.gather [hbm4b:s3+s8], $0x40, s30, s8, $0xb8;
	[tilespmem:$0x19680] =	vst v63  }
0xe4: {  	s31 =	rddreg [dreg:$0x13]  }
0xe5: {  	[tilespmem:s28], [sflag:$0x1] =	stream.indirect.gather [hbm4b:s3+s8], $0x40, s31, s8, $0xb8;
	[tilespmem:$0x19680] =	vst v63  }
0xe6: {  	_ =	swait.ge [sflag:s7], $0x1900  }
0xe7: {  	[sflag:s7] =	ssyncset.done $0x0  }
0xe8: {  	[sflag:s7] =	ssyncadd.s32 $0xFFFFE700  }
0xe9: {  	_ =	swait.ge [sflag:s7], $0x1900  }
0xea: {  	[sflag:s7] =	ssyncset.done $0x0  }
0xeb: {  	[sflag:s7] =	ssyncadd.s32 $0xFFFFE700  }
0xec: {  	_ =	swait.ge [sflag:s7], $0x1900  }
0xed: {  	[sflag:s7] =	ssyncset.done $0x0  }
0xee: {  	[sflag:s7] =	ssyncadd.s32 $0xFFFFE700  }
0xef: {  	_ =	swait.ge [sflag:s7], $0x1900  }
0xf0: {  	[sflag:s7] =	ssyncset.done $0x0  }
0xf1: {  	s14 =	sadd.s32 $0x3200, s14;
	[sflag:s7] =	ssyncadd.s32 $0xFFFFE700  }
0xf2: {  	p0 =	sne.s32 s14, $0xC8000;
	_ =	swait.ge [sflag:s7], $0x1900  }
.Ltmp0:
0xf3: {  	[sflag:s7] =	ssyncset.done $0x0;
	(pc) =	sbr.rel @p0 .LBB2_2-.Ltmp0, $4  }
0xf4: {  	[sflag:s7] =	ssyncadd.s32 $0xFFFFE700  }
0xf5: {  	_ =	swait.ge [sflag:s7], $0x1900  }
0xf6: {  	[sflag:s7] =	ssyncset.done $0x0  }
0xf7: {  	[sflag:s7] =	ssyncadd.s32 $0xFFFFE700  }
0xf8: {  	_ =	swait.ge [sflag:s7], $0x1900  }
0xf9: {  	[sflag:s7] =	ssyncset.done $0x0  }
0xfa: {  	[sflag:s7] =	ssyncadd.s32 $0xFFFFE700  }
0xfb: {  	_ =	swait.ge [sflag:s7], $0x1900  }
0xfc: {  	s14 =	rddreg [dreg:$0x3];
	[sflag:s7] =	ssyncset.done $0x0  }
0xfd: {  	s12 =	sadd.s32 $0x1, s12;
	[sflag:s7] =	ssyncadd.s32 $0xFFFFE700;
	s13 =	sadd.s32 s13, s14  }
0xfe: {  	[hbm4b:s13+s2] =	stream.linear.scatter [tilespmem:s9], [sflag:$0x3], $0xC800, $0x38;
	[tilespmem:$0x19680] =	vst v63  }
0xff: {  	p0 =	sne.s32 s12, s4;
	_ =	swait.ge [sflag:s10], $0xC800  }
.Ltmp1:
0x100: {  	[sflag:s10] =	ssyncset.done $0x0;
	(pc) =	sbr.rel @p0 .LBB2_1-.Ltmp1, $4  }
0x101: {  	[sflag:s10] =	ssyncadd.s32 $0xFFFF3800  }
0x102: {  	_ =	swait.ge [sflag:s11], $0xC800  }
0x103: {  	[sflag:s11] =	ssyncset.done $0x0  }
0x104: {  	[sflag:s11] =	ssyncadd.s32 $0xFFFF3800  }
0x105: {  	_ =	sfence.sel $0x180000  }
0x106: {  	[bflag:$0x0] =	sbarrier.arrive $0xFFFF  }
0x107: {  	p0 =	sne.s32 s0, $0x0;
	_ =	strace $0x90000047  }
0x108: {  	s0 =	sadd.s32 @!p0 $0x100000, s1;
	[bflag:$0x2] =	sbarrier.arrive $0xFFFF  }
0x109: {  	[sflag:s0] =	ssyncadd.tile.s32 @!p0 $0x1;
	_ =	shalt  }
.Lfunc_end2:
_tile_overlayer_lowered:
.L_overlay_start_2:
0x10a: {  	(tag) =	ssettag $0x2  }
0x10b: {  	s0 =	rddreg [dreg:$0x0];
	s2 =	stileid.u32  }
0x10c: {  	s1 =	rddreg [dreg:$0x1];
	p0 =	sne.s32 s2, $0x0  }
0x10d: {  	s3 =	rddreg [dreg:$0x2];
	[bflag:$0x3] =	sbarrier.arrive $0xFFFF;
	s2 =	simm.s32 @!p0 $0x1C04  }
0x10e: {  	[timem:s3], [sflag:s2] =	dma.local @!p0 [hbm:s0], s1  }
0x10f: {  	s0 =	simm.s32 @!p0 $0x4  }
0x110: {  	_ =	swait.ge @!p0 [sflag:s0], s1  }
0x111: {  	s1 =	ssub.s32 @!p0 $0x0, s1;
	[sflag:s0] =	ssyncset.done @!p0 $0x0  }
0x112: {  	[sflag:s0] =	ssyncadd.s32 @!p0 s1  }
0x113: {  	[bflag:$0x3] =	sbarrier.arrive $0xFFFF  }
0x114: {  	_ =	shalt  }

// kernel: sparse-core-data-format-call.cloned.1.call-start
scs
called_computation_lowered:
.L_overlay_start_0:
0x0: {  	s2 =	sld [smem:$0x3FD9]  }
0x1: {  	s3 =	sld [smem:$0x3FFE];
	_ =	sdelay $0x1  }
0x2: {  	s1 =	srdreg.scid  }
0x3: {  	s0 =	sand.u32 $0x1, s1  }
0x4: {  	s18 =	sshll.u32 s0, $0xA;
	s2 =	sadd.s32 s3, s2  }
0x5: {  	s2 =	sadd.s32 s2, s18  }
0x6: {  	[smem:$0x3FC6] =	sst s2  }
0x7: {  	_ = 	snop  }
0x8: {  	s2 =	sld [smem:$0x3FD0];
	(tm) =	ssettm $0x1  }
0x9: {  	s19 =	sld [smem:$0x3FFB];
	_ =	sdelay $0x3  }
0xa: {  	_ =	strace s19  }
0xb: {  	s3 =	sld [smem:$0x3FFC];
	_ =	sdelay $0x3  }
0xc: {  	_ =	strace s3  }
0xd: {  	s3 =	sld [smem:$0x3FFD];
	_ =	sdelay $0x3  }
0xe: {  	_ =	strace s3  }
0xf: {  	_ =	strace $0x8FFFFFFF  }
0x10: {  	s20 =	sld [smem:$0x3FDB];
	_ =	sdelay $0x1  }
0x11: {  	s4 =	simm.s32 $_scs_section_size  }
0x12: {  	s5 =	simm.s32 $_size__tile_overlayer_lowered;
	s6 =	simm.s32 $_tile_overlayer_lowered  }
0x13: {  	s23 =	simm.s32 $0x1BFF;
	s22 =	sshll.u32 s6, $0x1;
	s3 =	sadd.s32 s4, s20  }
0x14: {  	s7 =	simm.s32 $0x0;
	s21 =	sshll.u32 s5, $0x1;
	s5 =	sadd.s32 s22, s3  }
0x15: {  	[timem:s7], [sflag:s23] =	dma.local [hbm:s5], s21  }
0x16: {  	_ =	swait.ge [sflag:s23], s21  }
0x17: {  	s4 =	ssub.s32 $0x0, s21;
	[sflag:s23] =	ssyncset.done $0x0  }
0x18: {  	[sflag:s23] =	ssyncadd.s32 s4;
	_ =	sdelay $0x1  }
0x19: {  	s24 =	simm.s32 $0x1B8B  }
0x1a: {  	_ =	swait.ge [sflag:s24], $0x1  }
0x1b: {  	[sflag:s24] =	ssyncset.done $0x0  }
0x1c: {  	s26 =	simm.s32 $0x1B8E;
	s25 =	sld [smem:$0x3FFE];
	[sflag:s24] =	ssyncadd.s32 $0xFFFFFFFF  }
0x1d: {  	s27 =	simm.s32 $execute0_lowered;
	[smem:$0x3FD2] =	sst s26  }
0x1e: {  	s5 =	sshll.u32 s27, $0x1;
	_ =	strace $0x80000049;
	[dreg:$0x1] =	wrdreg $0xFFFFFFFF  }
0x1f: {  	s28 =	simm.s32 $_size_execute0_lowered;
	s3 =	sadd.s32 s3, s5;
	[dreg:$0x0] =	wrdreg $0x0  }
0x20: {  	s5 =	sshll.u32 s28, $0x1;
	[dreg:$0x2] =	wrdreg s3  }
0x21: {  	[dreg:$0x3] =	wrdreg s5  }
0x22: {  	[dreg:$0x4] =	wrdreg $0xC0  }
0x23: {  	_ =	task [dreg:s7], $0x5FFFF  }
0x24: {  	[dreg:$0x1] =	wrdreg $0xFFFFFFFF  }
0x25: {  	[dreg:$0x0] =	wrdreg $0x60  }
0x26: {  	[dreg:$0x2] =	wrdreg s25  }
0x27: {  	[dreg:$0x3] =	wrdreg s2  }
0x28: {  	[dreg:$0x4] =	wrdreg $0x9  }
0x29: {  	_ =	task.clear_ibuf [dreg:s7], $0x5FFFF;
	_ =	strace $0x90000049  }
0x2a: {  	s29 =	simm.s32 $0x9;
	_ =	strace $0x8000004B  }
0x2b: {  	_ =	swait.ge [sflag:s29], $0x1  }
0x2c: {  	[sflag:s29] =	ssyncadd.s32 $0xFFFFFFFF  }
0x2d: {  	_ =	strace $0x9000004B  }
0x2e: {  	_ =	sfence  }
0x2f: {  	s30 =	sld [smem:$0x0];
	_ =	sdelay $0x2  }
0x30: {  	s31 =	sshll.u32 s1, $0xD;
	s1 =	sshrl.u32 s1, $0x2  }
0x31: {  	s3 =	sand.u32 $0x4000, s31;
	s1 =	sadd.s32 s1, s30  }
0x32: {  	s0 =	sor.u32 s3, s0;
	s1 =	sshll.u32 s1, $0x11  }
0x33: {  	s0 =	sor.u32 s1, s0  }
0x34: {  	s0 =	sadd.s32 $0x8F2B, s0  }
0x35: {  	[sflag:s0] =	ssyncadd.remote.s32 $0x1  }
0x36: {  	_ =	sfence.sel $0xFFFF  }
0x37: {  	[dreg:$0x0] =	wrdreg $0xFFFFFFFF;
	(pc) =	sbr.abs _section_cstart, $3  }
0x38: {  	[dreg:$0x1] =	wrdreg $0xFFFFFFFF  }
0x39: {  	_ =	task.clear_ibuf [dreg:s7], $0x2FFFF;
	_ =	strace $0x9FFFFFFF  }
0x3a: {  	(tm) =	ssettm $0x7FFFFFFF  }
0x3b: {  	_ =	shalt  }
tec
execute0_lowered:
.L_overlay_start_1:
0x0: {  	(tag) =	ssettag $0x1  }
0x1: {  	s0 =	srdreg.scid  }
0x2: {  	s1 =	sshll.u32 s0, $0x4  }
0x3: {  	s0 =	stileid.u32;
	s1 =	sand.u32 $0x10, s1  }
0x4: {  	s1 =	sor.u32 s0, s1  }
0x5: {  	s6 =	rddreg [dreg:$0x0];
	s4 =	simm.s32 $0x1;
	s2 =	sshll.u32 s1, $0x7  }
0x6: {  	s7 =	simm.s32 $0x2;
	s12 =	simm.s32 $0x0;
	s1 =	ssub.s32 $0x4000, s2  }
0x7: {  	s8 =	simm.s32 $0x20000;
	s13 =	simm.s32 $0x0;
	s3 =	sand.u32 $0xF80, s1  }
0x8: {  	s9 =	simm.s32 $0x0;
	s5 =	sshrl.u32 s1, $0xC;
	p0 =	sne.s32 s3, $0x0  }
.Ltmp0:
0x9: {  	s1 =	rddreg [dreg:$0x2];
	s4 =	simm.s32 @!p0 $0x0;
	(pc) =	sbr.rel .LBB1_1-.Ltmp0, $4  }
0xa: {  	s11 =	simm.s32 $0x0;
	s3 =	rddreg [dreg:$0x1];
	s5 =	sadd.s32 s4, s5  }
0xb: {  	_ =	strace $0x8000004A;
	s4 =	simm.s32 $0x1;
	s5 =	smul.u32 $0xC8, s5  }
0xc: {  	s6 =	sadd.s32 $0x800, s6;
	s10 =	smov.u32 s2;
	[sflag:s4] =	ssyncpa.u1 $0x0  }
0xd: {  	p0 =	por $0x0, $0x0;
	[sflag:s7] =	ssyncpa.u1 $0x0;
	s7 =	sor.u32 $0x1, s5  }
.LBB1_4:
0xe: {  	s16 =	sshll.u32 s13, $0x3;
	s17 =	sand.u32 $0x78, s13  }
0xf: {  	s30 =	sand.u32 $0x1F800, s13;
	s12 =	sshll.u32 s12, $0x11;
	s16 =	sand.u32 $0x3C00, s16  }
0x10: {  	[tilespmem:s15+$0x810 ss:$0x81] =	vst.msk $0xffff, v2;
	s31 =	sand.u32 $0x7, s13;
	s16 =	sor.u32 s17, s16;
	s17 =	sadd.s32 s3, s30  }
0x11: {  	[tilespmem:s15+$0x1020 ss:$0x81] =	vst.msk $0xffff, v0;
	s13 =	sshll.u32 s31, $0x12;
	s12 =	sadd.s32 s12, s17;
	s16 =	sshrl.u32 s16, $0x3  }
0x12: {  	[tilespmem:s15+$0x0 ss:$0x81] =	vst.msk $0xffff, v1;
	s13 =	sor.u32 $0x400, s13;
	s12 =	sadd.s32 s16, s12  }
0x13: {  	[hbm4b:s12+s13] =	stream.strided.scatter [tilespmem:s14], [sflag:$0x2], $0x2000, s8, s13, $0x20;
	[tilespmem:$0x8080] =	vst v63  }
.LBB1_5:
0x14: {  	s14 =	sadd.s32 $0x1, s9  }
0x15: {  	s12 =	sadd.s32 $0x1000, s10;
	s16 =	smov.u32 s10;
	p2 =	sgt.s32 s14, $0xC7  }
0x16: {  	s16 =	smov.u32 @p2 s12  }
0x17: {  	s14 =	simm.s32 @p2 $0x0;
	p2 =	sgt.s32 s16, $0x3FFF  }
0x18: {  	s16 =	smov.u32 @p2 s2;
	p2 =	sne.s32 s11, s7  }
.Ltmp1:
0x19: {  	p1 =	slt.u32 s11, $0x2;
	(pc) =	sbr.rel @!p2 .LBB1_6-.Ltmp1, $4  }
0x1a: {  	s15 =	simm.s32 @!p1 $0x2  }
0x1b: {  	s13 =	smov.u32 s10;
	p0 =	por !p0, !p0;
	_ =	swait.ge @!p1 [sflag:s15], $0x2000  }
0x1c: {  	s12 =	smov.u32 s9;
	[sflag:s15] =	ssyncset.done @!p1 $0x0;
	s9 =	smov.u32 s14  }
0x1d: {  	s11 =	sadd.s32 $0x1, s11;
	[sflag:s15] =	ssyncadd.s32 @!p1 $0xFFFFE000;
	s10 =	smov.u32 s16  }
.LBB1_1:
0x1e: {  	p1 =	sge.u32 s11, s5  }
0x1f: {  	s14 =	sand.u32 @!p1 $0x1FFFFFF, s9  }
0x20: {  	s15 =	smulhi.u32 @!p1 $0x147AE15, s14;
	_ =	sdelay $0x1  }
0x21: {  	s15 =	smul.u32 @!p1 $0xC8, s15  }
0x22: {  	s16 =	sxor.u32 @!p1 $0xFFFFFFFF, s11;
	s17 =	smul.u32 @!p1 $0xC80, s10  }
0x23: {  	s31 =	sadd.s32 $0xFFFFFFFF, s11;
	s16 =	sshll.u32 @!p1 s16, $0xD;
	s14 =	ssub.s32 @!p1 s14, s15  }
0x24: {  	s15 =	sand.u32 @!p1 $0x2000, s16;
	s16 =	sadd.s32 @!p1 s6, s17;
	s14 =	sshll.u32 @!p1 s14, $0x4  }
0x25: {  	s17 =	simm.s32 @!p1 $0x6400;
	s14 =	sadd.s32 @!p1 s14, s16;
	s16 =	simm.s32 @!p1 $0x40  }
0x26: {  	[tilespmem:s15], [sflag:$0x1] =	stream.strided.gather @!p1 [hbm4b:s14+s16], $0x2000, s17, s16, $0x38;
	[tilespmem:$0x8080] =	vst v63  }
0x27: {  	p1 =	sge.u32 s31, s5  }
.Ltmp2:
0x28: {  	_ = 	snop;
	(pc) =	sbr.rel @p1 .LBB1_5-.Ltmp2, $1  }
0x29: {  	_ =	sdelay $0x3  }
0x2a: {  	s14 =	simm.s32 $0x1  }
0x2b: {  	_ =	swait.ge [sflag:s4], $0x2000;
	s14 =	simm.s32 @!p0 $0x0  }
0x2c: {  	[sflag:s4] =	ssyncset.done $0x0;
	s15 =	sshll.u32 s14, $0xD  }
0x2d: {  	[sflag:s4] =	ssyncadd.s32 $0xFFFFE000;
	s18 =	sor.u32 $0x20, s15  }
0x2e: {  	s14 =	smul.u32 $0x8100, s14;
	v3 =	vld [tilespmem:s18+$0x10]  }
0x2f: {  	s30 =	sand.u32 $0x1, s11;
	v2 =	vld [tilespmem:s18+$0xFFFFFFF0]  }
0x30: {  	s15 =	smul.u32 $0x8100, s30;
	s14 =	sshrl.u32 s14, $0x2;
	v0 =	vld [tilespmem:s18+$0x0]  }
0x31: {  	v1 =	vld [tilespmem:s18+$0xFFFFFFE0];
	s16 =	sor.u32 $0x4000, s14  }
0x32: {  	s31 =	sshrl.u32 s15, $0x2;
	s15 =	sadd.s32 $0x0, s16  }
0x33: {  	s17 =	simm.s32 $0x4;
	s18 =	sadd.s32 $0x40, s18;
	s14 =	sor.u32 $0x4000, s31;
	[tilespmem:s15+$0x1830 ss:$0x81] =	vst.msk $0xffff, v3  }
.LBB1_3:
0x34: {  	v3 =	vld [tilespmem:s18+$0x10];
	p1 =	sne.s32 s17, $0x1FC;
	[tilespmem:s15+$0x810 ss:$0x81] =	vst.msk $0xffff, v2;
	s19 =	smov.u32 s17;
	s17 =	sadd.s32 $0x4, s17  }
.Ltmp3:
0x35: {  	v2 =	vld [tilespmem:s18+$0xFFFFFFF0];
	[tilespmem:s15+$0x1020 ss:$0x81] =	vst.msk $0xffff, v0;
	(pc) =	sbr.rel @p1 .LBB1_3-.Ltmp3, $4  }
0x36: {  	v0 =	vld [tilespmem:s18+$0x0];
	[tilespmem:s15+$0x0 ss:$0x81] =	vst.msk $0xffff, v1  }
0x37: {  	s15 =	sshra.s32 s19, $0x2;
	v1 =	vld [tilespmem:s18+$0xFFFFFFE0]  }
0x38: {  	s15 =	sadd.s32 s15, s16  }
0x39: {  	s18 =	sadd.s32 $0x40, s18;
	[tilespmem:s15+$0x1830 ss:$0x81] =	vst.msk $0xffff, v3  }
.Ltmp4:
0x3a: {  	_ = 	snop;
	(pc) =	sbr.rel .LBB1_4-.Ltmp4, $1  }
0x3b: {  	_ =	sdelay $0x3  }
.LBB1_6:
0x3c: {  	_ =	sfence.sel $0x180000  }
0x3d: {  	s2 =	simm.s32 $0x1;
	[bflag:$0x0] =	sbarrier.arrive $0xFFFF  }
0x3e: {  	s31 =	simm.s32 $0x2;
	[sflag:s2] =	ssyncpa.u1 $0x1  }
0x3f: {  	[sflag:s31] =	ssyncpa.u1 $0x1  }
0x40: {  	p0 =	sne.s32 s0, $0x0;
	_ =	strace $0x9000004A  }
0x41: {  	s0 =	sadd.s32 @!p0 $0x100000, s1;
	[bflag:$0x2] =	sbarrier.arrive $0xFFFF  }
0x42: {  	[sflag:s0] =	ssyncadd.tile.s32 @!p0 $0x1;
	_ =	shalt  }
.Lfunc_end1:
_tile_overlayer_lowered:
.L_overlay_start_2:
0x43: {  	(tag) =	ssettag $0x2  }
0x44: {  	s0 =	rddreg [dreg:$0x0];
	s2 =	stileid.u32  }
0x45: {  	s1 =	rddreg [dreg:$0x1];
	p0 =	sne.s32 s2, $0x0  }
0x46: {  	s3 =	rddreg [dreg:$0x2];
	[bflag:$0x3] =	sbarrier.arrive $0xFFFF;
	s2 =	simm.s32 @!p0 $0x1C01  }
0x47: {  	[timem:s3], [sflag:s2] =	dma.local @!p0 [hbm:s0], s1  }
0x48: {  	s0 =	simm.s32 @!p0 $0x1  }
0x49: {  	_ =	swait.ge @!p0 [sflag:s0], s1  }
0x4a: {  	s1 =	ssub.s32 @!p0 $0x0, s1;
	[sflag:s0] =	ssyncset.done @!p0 $0x0  }
0x4b: {  	[sflag:s0] =	ssyncadd.s32 @!p0 s1  }
0x4c: {  	[bflag:$0x3] =	sbarrier.arrive $0xFFFF  }
0x4d: {  	_ =	shalt  }

</sc_bundles>
